<compile_context>
chip_gen: v7x
topology: tpu7x:2x2x1
jax: 0.10.2.dev20260603
libtpu: 0.0.44.dev20260713+nightly
codegen_flags: <defaults>
</compile_context>

<pallas_src>
import functools

import jax
import jax.numpy as jnp
from jax import lax
from jax.experimental import pallas as pl
from jax.experimental.pallas import tpu as pltpu
from jax.experimental.pallas import tpu_sc as plsc

D_MODEL = 768
MAX_LEN = 4096
BATCH = 4
LANES = 16
NUM_CORES = 2
NUM_SUBCORES = 16
NUM_WORKERS = NUM_CORES * NUM_SUBCORES
ROWS_PER_WORKER = MAX_LEN // NUM_WORKERS
GROUPS_PER_BATCH = ROWS_PER_WORKER // LANES


SUB_ROWS = 64
NUM_SUB = ROWS_PER_WORKER // SUB_ROWS


def _body(sym_hbm, pe_hbm, out_hbm, pe_v, sym_v, zero_v, ssem, wsem, *rsems):
    wid = lax.axis_index("s") * NUM_CORES + lax.axis_index("c")
    base = wid * ROWS_PER_WORKER

    sym_copies = [
        pltpu.make_async_copy(
            sym_hbm.at[b, pl.ds(base, ROWS_PER_WORKER)],
            sym_v.at[pl.ds(b * ROWS_PER_WORKER, ROWS_PER_WORKER)],
            ssem,
        )
        for b in range(BATCH)
    ]
    for c in sym_copies:
        c.start()

    reads = []
    for k in range(NUM_SUB):
        c = pltpu.make_async_copy(
            pe_hbm.at[0, pl.ds(base + k * SUB_ROWS, SUB_ROWS)],
            pe_v.at[pl.ds(k * SUB_ROWS, SUB_ROWS)],
            rsems[k],
        )
        c.start()
        reads.append(c)

    writes = []
    for k in range(NUM_SUB):
        reads[k].wait()
        for b in range(BATCH):
            c = pltpu.make_async_copy(
                pe_v.at[pl.ds(k * SUB_ROWS, SUB_ROWS)],
                out_hbm.at[b, pl.ds(base + k * SUB_ROWS, SUB_ROWS)],
                wsem,
            )
            c.start()
            writes.append(c)

    zeros = jnp.zeros((LANES,), jnp.float32)
    for j in range(D_MODEL // LANES):
        zero_v[pl.ds(j * LANES, LANES)] = zeros

    for c in sym_copies:
        c.wait()
    for c in writes:
        c.wait()

    lane_iota = lax.iota(jnp.int32, LANES)
    for b in range(BATCH):
        def group_body(g, _, b=b):
            off = b * ROWS_PER_WORKER + g * LANES
            sv = sym_v[pl.ds(off, LANES)]
            pad = sv == 0
            n_pad = plsc.all_reduce_population_count(pad)[0]

            @pl.when(n_pad > 0)
            def _():
                def lane_body(i, _):
                    is_pad = plsc.all_reduce_population_count(
                        jnp.logical_and(pad, lane_iota == i))[0]

                    @pl.when(is_pad > 0)
                    def _():
                        row = base + g * LANES + i
                        pltpu.sync_copy(zero_v, out_hbm.at[b, row])

                    return 0

                lax.fori_loop(0, LANES, lane_body, 0)

            return 0

        lax.fori_loop(0, GROUPS_PER_BATCH, group_body, 0)


@functools.partial(
    pl.kernel,
    out_type=jax.ShapeDtypeStruct((BATCH, MAX_LEN, D_MODEL), jnp.float32),
    mesh=plsc.VectorSubcoreMesh(core_axis_name="c", subcore_axis_name="s"),
    compiler_params=pltpu.CompilerParams(needs_layout_passes=False),
    scratch_types=[
        pltpu.VMEM((ROWS_PER_WORKER, D_MODEL), jnp.float32),
        pltpu.VMEM((BATCH * ROWS_PER_WORKER,), jnp.int32),
        pltpu.VMEM((D_MODEL,), jnp.float32),
        pltpu.SemaphoreType.DMA,
        pltpu.SemaphoreType.DMA,
    ] + [pltpu.SemaphoreType.DMA] * NUM_SUB,
)
def _pe_broadcast(sym_hbm, pe_hbm, out_hbm, pe_v, sym_v, zero_v, ssem, wsem,
                  *rsems):
    _body(sym_hbm, pe_hbm, out_hbm, pe_v, sym_v, zero_v, ssem, wsem, *rsems)


def kernel(symbol, positional_encoding):
    sym = symbol.astype(jnp.int32)
    return _pe_broadcast(sym, positional_encoding)

# --- scband reference (transcript-rebuilt; emitter-appended) ---
"""Pipeline reference for scband-positional-encoding-12214886990583 (READ-ONLY COPY).

The authoritative reference and input builder live on the scoring server;
editing this copy changes nothing except your own understanding.
"""

import jax, jax.numpy as jnp
import numpy as np

D_MODEL = 768
MAX_LEN = 4096
PAD_IDX = 0
BATCH = 4
SEQ_LEN = 4096


def _build_pe():
    position = np.arange(MAX_LEN, dtype=np.float32)[:, None]
    scale = -np.log(10000.0) / D_MODEL
    div_term = np.exp(np.arange(0, D_MODEL, 2, dtype=np.float32) * scale)
    pe = np.zeros((MAX_LEN, D_MODEL), dtype=np.float32)
    pe[:, 0::2] = np.sin(position * div_term)
    pe[:, 1::2] = np.cos(position * div_term)
    return jnp.asarray(pe[None])  # [1, MAX_LEN, D_MODEL]


def setup_inputs(seed: int = 0) -> dict:
    key = jax.random.key(seed)
    symbol = jax.random.randint(key, (BATCH, SEQ_LEN), 0, 32000)
    positional_encoding = _build_pe()
    return {"symbol": symbol, "positional_encoding": positional_encoding}


def reference(symbol, positional_encoding):
    B, L = symbol.shape
    # out = positional_encoding.repeat(B, 1, 1)
    out = jnp.broadcast_to(positional_encoding,
                           (B, positional_encoding.shape[1], positional_encoding.shape[2]))
    # mask is None -> indices = arange(L)
    indices = jnp.arange(L)
    # out = out[arange(B)[:, None], indices]  (advanced-index gather)
    out = out[jnp.arange(B)[:, None], indices[None, :]]
    # zero out PAD positions
    out = out * (symbol != PAD_IDX)[:, :, None].astype(out.dtype)
    return out

if __name__ == "__main__":
    import jax
    _d = setup_inputs()
    print(jax.jit(kernel)(*tuple(_d.values())))

</pallas_src>

<mosaic_0001>
#map = affine_map<(d0, d1) -> (0, 0)>
#map1 = affine_map<(d0, d1) -> (0, 0, 0)>
module attributes {stable_mosaic.version = 14 : i64} {
  func.func @_pe_broadcast(%arg0: i32, %arg1: i32, %arg2: memref<4x4096xi32, #tpu.memory_space<hbm>>, %arg3: memref<1x4096x768xf32, #tpu.memory_space<hbm>>, %arg4: memref<4x4096x768xf32, #tpu.memory_space<hbm>>, %arg5: memref<128x768xf32, #tpu.memory_space<vmem>>, %arg6: memref<512xi32, #tpu.memory_space<vmem>>, %arg7: memref<768xf32, #tpu.memory_space<vmem>>, %arg8: memref<!tpu.dma_semaphore, #tpu.memory_space<semaphore_mem>>, %arg9: memref<!tpu.dma_semaphore, #tpu.memory_space<semaphore_mem>>, %arg10: memref<!tpu.dma_semaphore, #tpu.memory_space<semaphore_mem>>, %arg11: memref<!tpu.dma_semaphore, #tpu.memory_space<semaphore_mem>>) attributes {dimension_semantics = [#tpu.dimension_semantics<core_parallel>, #tpu.dimension_semantics<subcore_parallel>], iteration_bounds = array<i64: 2, 16>, scalar_prefetch = 0 : i64, scratch_operands = 7 : i64, tpu.core_type = #tpu.core_type<sc_vector_subcore>, window_params = [{transform_indices = #map}, {transform_indices = #map1}, {transform_indices = #map1}]} {
    %mul3A = arith.constant 2 : i32
    %mul3A_0 = arith.muli %arg1, %mul3A : i32
    %add3A = arith.addi %mul3A_0, %arg0 : i32
    %mul3A_1 = arith.constant 128 : i32
    %mul3A_2 = arith.muli %add3A, %mul3A_1 : i32
    %dma_start3A = arith.constant 0 : i32
    %dma_start3A_3 = arith.constant 0 : i32
    %dma_start3A_4 = tpu.memref_slice %arg6[%dma_start3A_3] : memref<512xi32, #tpu.memory_space<vmem>> -> memref<128xi32, #tpu.memory_space<vmem>>
    %dma_start3A_5 = tpu.memref_slice %arg2[%dma_start3A, %mul3A_2] : memref<4x4096xi32, #tpu.memory_space<hbm>> -> memref<1x128xi32, #tpu.memory_space<hbm>>
    %dma_start3A_6 = tpu.memref_squeeze %dma_start3A_5 : memref<1x128xi32, #tpu.memory_space<hbm>> -> memref<128xi32, #tpu.memory_space<hbm>>
    %dma_start3A_7 = arith.constant 0 : i32
    %dma_start3A_8 = tpu.memref_slice %arg6[%dma_start3A_7] : memref<512xi32, #tpu.memory_space<vmem>> -> memref<128xi32, #tpu.memory_space<vmem>>
    %dma_start3A_9 = tpu.memref_slice %arg2[%dma_start3A, %mul3A_2] : memref<4x4096xi32, #tpu.memory_space<hbm>> -> memref<1x128xi32, #tpu.memory_space<hbm>>
    %dma_start3A_10 = tpu.memref_squeeze %dma_start3A_9 : memref<1x128xi32, #tpu.memory_space<hbm>> -> memref<128xi32, #tpu.memory_space<hbm>>
    tpu.enqueue_dma source(%dma_start3A_10 : memref<128xi32, #tpu.memory_space<hbm>>) target(%dma_start3A_8 : memref<128xi32, #tpu.memory_space<vmem>>) target_semaphore(%arg8 : memref<!tpu.dma_semaphore, #tpu.memory_space<semaphore_mem>>)
    %dma_start3A_11 = arith.constant 1 : i32
    %dma_start3A_12 = arith.constant 128 : i32
    %dma_start3A_13 = tpu.memref_slice %arg6[%dma_start3A_12] : memref<512xi32, #tpu.memory_space<vmem>> -> memref<128xi32, #tpu.memory_space<vmem>>
    %dma_start3A_14 = tpu.memref_slice %arg2[%dma_start3A_11, %mul3A_2] : memref<4x4096xi32, #tpu.memory_space<hbm>> -> memref<1x128xi32, #tpu.memory_space<hbm>>
    %dma_start3A_15 = tpu.memref_squeeze %dma_start3A_14 : memref<1x128xi32, #tpu.memory_space<hbm>> -> memref<128xi32, #tpu.memory_space<hbm>>
    %dma_start3A_16 = arith.constant 128 : i32
    %dma_start3A_17 = tpu.memref_slice %arg6[%dma_start3A_16] : memref<512xi32, #tpu.memory_space<vmem>> -> memref<128xi32, #tpu.memory_space<vmem>>
    %dma_start3A_18 = tpu.memref_slice %arg2[%dma_start3A_11, %mul3A_2] : memref<4x4096xi32, #tpu.memory_space<hbm>> -> memref<1x128xi32, #tpu.memory_space<hbm>>
    %dma_start3A_19 = tpu.memref_squeeze %dma_start3A_18 : memref<1x128xi32, #tpu.memory_space<hbm>> -> memref<128xi32, #tpu.memory_space<hbm>>
    tpu.enqueue_dma source(%dma_start3A_19 : memref<128xi32, #tpu.memory_space<hbm>>) target(%dma_start3A_17 : memref<128xi32, #tpu.memory_space<vmem>>) target_semaphore(%arg8 : memref<!tpu.dma_semaphore, #tpu.memory_space<semaphore_mem>>)
    %dma_start3A_20 = arith.constant 2 : i32
    %dma_start3A_21 = arith.constant 256 : i32
    %dma_start3A_22 = tpu.memref_slice %arg6[%dma_start3A_21] : memref<512xi32, #tpu.memory_space<vmem>> -> memref<128xi32, #tpu.memory_space<vmem>>
    %dma_start3A_23 = tpu.memref_slice %arg2[%dma_start3A_20, %mul3A_2] : memref<4x4096xi32, #tpu.memory_space<hbm>> -> memref<1x128xi32, #tpu.memory_space<hbm>>
    %dma_start3A_24 = tpu.memref_squeeze %dma_start3A_23 : memref<1x128xi32, #tpu.memory_space<hbm>> -> memref<128xi32, #tpu.memory_space<hbm>>
    %dma_start3A_25 = arith.constant 256 : i32
    %dma_start3A_26 = tpu.memref_slice %arg6[%dma_start3A_25] : memref<512xi32, #tpu.memory_space<vmem>> -> memref<128xi32, #tpu.memory_space<vmem>>
    %dma_start3A_27 = tpu.memref_slice %arg2[%dma_start3A_20, %mul3A_2] : memref<4x4096xi32, #tpu.memory_space<hbm>> -> memref<1x128xi32, #tpu.memory_space<hbm>>
    %dma_start3A_28 = tpu.memref_squeeze %dma_start3A_27 : memref<1x128xi32, #tpu.memory_space<hbm>> -> memref<128xi32, #tpu.memory_space<hbm>>
    tpu.enqueue_dma source(%dma_start3A_28 : memref<128xi32, #tpu.memory_space<hbm>>) target(%dma_start3A_26 : memref<128xi32, #tpu.memory_space<vmem>>) target_semaphore(%arg8 : memref<!tpu.dma_semaphore, #tpu.memory_space<semaphore_mem>>)
    %dma_start3A_29 = arith.constant 3 : i32
    %dma_start3A_30 = arith.constant 384 : i32
    %dma_start3A_31 = tpu.memref_slice %arg6[%dma_start3A_30] : memref<512xi32, #tpu.memory_space<vmem>> -> memref<128xi32, #tpu.memory_space<vmem>>
    %dma_start3A_32 = tpu.memref_slice %arg2[%dma_start3A_29, %mul3A_2] : memref<4x4096xi32, #tpu.memory_space<hbm>> -> memref<1x128xi32, #tpu.memory_space<hbm>>
    %dma_start3A_33 = tpu.memref_squeeze %dma_start3A_32 : memref<1x128xi32, #tpu.memory_space<hbm>> -> memref<128xi32, #tpu.memory_space<hbm>>
    %dma_start3A_34 = arith.constant 384 : i32
    %dma_start3A_35 = tpu.memref_slice %arg6[%dma_start3A_34] : memref<512xi32, #tpu.memory_space<vmem>> -> memref<128xi32, #tpu.memory_space<vmem>>
    %dma_start3A_36 = tpu.memref_slice %arg2[%dma_start3A_29, %mul3A_2] : memref<4x4096xi32, #tpu.memory_space<hbm>> -> memref<1x128xi32, #tpu.memory_space<hbm>>
    %dma_start3A_37 = tpu.memref_squeeze %dma_start3A_36 : memref<1x128xi32, #tpu.memory_space<hbm>> -> memref<128xi32, #tpu.memory_space<hbm>>
    tpu.enqueue_dma source(%dma_start3A_37 : memref<128xi32, #tpu.memory_space<hbm>>) target(%dma_start3A_35 : memref<128xi32, #tpu.memory_space<vmem>>) target_semaphore(%arg8 : memref<!tpu.dma_semaphore, #tpu.memory_space<semaphore_mem>>)
    %add3A_38 = arith.constant 0 : i32
    %add3A_39 = arith.addi %mul3A_2, %add3A_38 : i32
    %dma_start3A_40 = arith.constant 0 : i32
    %dma_start3A_41 = arith.constant 0 : i32
    %dma_start3A_42 = arith.constant 0 : i32
    %dma_start3A_43 = tpu.memref_slice %arg5[%dma_start3A_41, %dma_start3A_42] : memref<128x768xf32, #tpu.memory_space<vmem>> -> memref<64x768xf32, #tpu.memory_space<vmem>>
    %dma_start3A_44 = arith.constant 0 : i32
    %dma_start3A_45 = tpu.memref_slice %arg3[%dma_start3A_40, %add3A_39, %dma_start3A_44] : memref<1x4096x768xf32, #tpu.memory_space<hbm>> -> memref<1x64x768xf32, #tpu.memory_space<hbm>>
    %dma_start3A_46 = tpu.memref_squeeze %dma_start3A_45 : memref<1x64x768xf32, #tpu.memory_space<hbm>> -> memref<64x768xf32, #tpu.memory_space<hbm>>
    %dma_start3A_47 = arith.constant 0 : i32
    %dma_start3A_48 = arith.constant 0 : i32
    %dma_start3A_49 = tpu.memref_slice %arg5[%dma_start3A_47, %dma_start3A_48] : memref<128x768xf32, #tpu.memory_space<vmem>> -> memref<64x768xf32, #tpu.memory_space<vmem>>
    %dma_start3A_50 = arith.constant 0 : i32
    %dma_start3A_51 = tpu.memref_slice %arg3[%dma_start3A_40, %add3A_39, %dma_start3A_50] : memref<1x4096x768xf32, #tpu.memory_space<hbm>> -> memref<1x64x768xf32, #tpu.memory_space<hbm>>
    %dma_start3A_52 = tpu.memref_squeeze %dma_start3A_51 : memref<1x64x768xf32, #tpu.memory_space<hbm>> -> memref<64x768xf32, #tpu.memory_space<hbm>>
    tpu.enqueue_dma source(%dma_start3A_52 : memref<64x768xf32, #tpu.memory_space<hbm>>) target(%dma_start3A_49 : memref<64x768xf32, #tpu.memory_space<vmem>>) target_semaphore(%arg10 : memref<!tpu.dma_semaphore, #tpu.memory_space<semaphore_mem>>)
    %add3A_53 = arith.constant 64 : i32
    %add3A_54 = arith.addi %mul3A_2, %add3A_53 : i32
    %dma_start3A_55 = arith.constant 0 : i32
    %dma_start3A_56 = arith.constant 64 : i32
    %dma_start3A_57 = arith.constant 0 : i32
    %dma_start3A_58 = tpu.memref_slice %arg5[%dma_start3A_56, %dma_start3A_57] : memref<128x768xf32, #tpu.memory_space<vmem>> -> memref<64x768xf32, #tpu.memory_space<vmem>>
    %dma_start3A_59 = arith.constant 0 : i32
    %dma_start3A_60 = tpu.memref_slice %arg3[%dma_start3A_55, %add3A_54, %dma_start3A_59] : memref<1x4096x768xf32, #tpu.memory_space<hbm>> -> memref<1x64x768xf32, #tpu.memory_space<hbm>>
    %dma_start3A_61 = tpu.memref_squeeze %dma_start3A_60 : memref<1x64x768xf32, #tpu.memory_space<hbm>> -> memref<64x768xf32, #tpu.memory_space<hbm>>
    %dma_start3A_62 = arith.constant 64 : i32
    %dma_start3A_63 = arith.constant 0 : i32
    %dma_start3A_64 = tpu.memref_slice %arg5[%dma_start3A_62, %dma_start3A_63] : memref<128x768xf32, #tpu.memory_space<vmem>> -> memref<64x768xf32, #tpu.memory_space<vmem>>
    %dma_start3A_65 = arith.constant 0 : i32
    %dma_start3A_66 = tpu.memref_slice %arg3[%dma_start3A_55, %add3A_54, %dma_start3A_65] : memref<1x4096x768xf32, #tpu.memory_space<hbm>> -> memref<1x64x768xf32, #tpu.memory_space<hbm>>
    %dma_start3A_67 = tpu.memref_squeeze %dma_start3A_66 : memref<1x64x768xf32, #tpu.memory_space<hbm>> -> memref<64x768xf32, #tpu.memory_space<hbm>>
    tpu.enqueue_dma source(%dma_start3A_67 : memref<64x768xf32, #tpu.memory_space<hbm>>) target(%dma_start3A_64 : memref<64x768xf32, #tpu.memory_space<vmem>>) target_semaphore(%arg11 : memref<!tpu.dma_semaphore, #tpu.memory_space<semaphore_mem>>)
    %dma_wait3A = arith.constant 0 : i32
    %dma_wait3A_68 = arith.constant 0 : i32
    %dma_wait3A_69 = arith.constant 0 : i32
    %dma_wait3A_70 = tpu.memref_slice %arg5[%dma_wait3A_68, %dma_wait3A_69] : memref<128x768xf32, #tpu.memory_space<vmem>> -> memref<64x768xf32, #tpu.memory_space<vmem>>
    %dma_wait3A_71 = arith.constant 0 : i32
    %dma_wait3A_72 = tpu.memref_slice %arg3[%dma_wait3A, %add3A_39, %dma_wait3A_71] : memref<1x4096x768xf32, #tpu.memory_space<hbm>> -> memref<1x64x768xf32, #tpu.memory_space<hbm>>
    %dma_wait3A_73 = tpu.memref_squeeze %dma_wait3A_72 : memref<1x64x768xf32, #tpu.memory_space<hbm>> -> memref<64x768xf32, #tpu.memory_space<hbm>>
    %dma_wait3A_74 = arith.constant 0 : i32
    %dma_wait3A_75 = arith.constant 0 : i32
    %dma_wait3A_76 = tpu.memref_slice %arg5[%dma_wait3A_74, %dma_wait3A_75] : memref<128x768xf32, #tpu.memory_space<vmem>> -> memref<64x768xf32, #tpu.memory_space<vmem>>
    %dma_wait3A_77 = arith.constant 0 : i32
    %dma_wait3A_78 = tpu.memref_slice %arg3[%dma_wait3A, %add3A_39, %dma_wait3A_77] : memref<1x4096x768xf32, #tpu.memory_space<hbm>> -> memref<1x64x768xf32, #tpu.memory_space<hbm>>
    %dma_wait3A_79 = tpu.memref_squeeze %dma_wait3A_78 : memref<1x64x768xf32, #tpu.memory_space<hbm>> -> memref<64x768xf32, #tpu.memory_space<hbm>>
    tpu.wait_dma2 semaphore(%arg10 : memref<!tpu.dma_semaphore, #tpu.memory_space<semaphore_mem>>) src(%dma_wait3A_79 : memref<64x768xf32, #tpu.memory_space<hbm>>) dst(%dma_wait3A_76 : memref<64x768xf32, #tpu.memory_space<vmem>>)
    %add3A_80 = arith.constant 0 : i32
    %add3A_81 = arith.addi %mul3A_2, %add3A_80 : i32
    %dma_start3A_82 = arith.constant 0 : i32
    %dma_start3A_83 = arith.constant 0 : i32
    %dma_start3A_84 = arith.constant 0 : i32
    %dma_start3A_85 = tpu.memref_slice %arg5[%dma_start3A_83, %dma_start3A_84] : memref<128x768xf32, #tpu.memory_space<vmem>> -> memref<64x768xf32, #tpu.memory_space<vmem>>
    %dma_start3A_86 = arith.constant 0 : i32
    %dma_start3A_87 = tpu.memref_slice %arg4[%dma_start3A_82, %add3A_81, %dma_start3A_86] : memref<4x4096x768xf32, #tpu.memory_space<hbm>> -> memref<1x64x768xf32, #tpu.memory_space<hbm>>
    %dma_start3A_88 = tpu.memref_squeeze %dma_start3A_87 : memref<1x64x768xf32, #tpu.memory_space<hbm>> -> memref<64x768xf32, #tpu.memory_space<hbm>>
    %dma_start3A_89 = arith.constant 0 : i32
    %dma_start3A_90 = tpu.memref_slice %arg4[%dma_start3A_82, %add3A_81, %dma_start3A_89] : memref<4x4096x768xf32, #tpu.memory_space<hbm>> -> memref<1x64x768xf32, #tpu.memory_space<hbm>>
    %dma_start3A_91 = tpu.memref_squeeze %dma_start3A_90 : memref<1x64x768xf32, #tpu.memory_space<hbm>> -> memref<64x768xf32, #tpu.memory_space<hbm>>
    %dma_start3A_92 = arith.constant 0 : i32
    %dma_start3A_93 = arith.constant 0 : i32
    %dma_start3A_94 = tpu.memref_slice %arg5[%dma_start3A_92, %dma_start3A_93] : memref<128x768xf32, #tpu.memory_space<vmem>> -> memref<64x768xf32, #tpu.memory_space<vmem>>
    tpu.enqueue_dma source(%dma_start3A_94 : memref<64x768xf32, #tpu.memory_space<vmem>>) target(%dma_start3A_91 : memref<64x768xf32, #tpu.memory_space<hbm>>) target_semaphore(%arg9 : memref<!tpu.dma_semaphore, #tpu.memory_space<semaphore_mem>>)
    %add3A_95 = arith.constant 0 : i32
    %add3A_96 = arith.addi %mul3A_2, %add3A_95 : i32
    %dma_start3A_97 = arith.constant 1 : i32
    %dma_start3A_98 = arith.constant 0 : i32
    %dma_start3A_99 = arith.constant 0 : i32
    %dma_start3A_100 = tpu.memref_slice %arg5[%dma_start3A_98, %dma_start3A_99] : memref<128x768xf32, #tpu.memory_space<vmem>> -> memref<64x768xf32, #tpu.memory_space<vmem>>
    %dma_start3A_101 = arith.constant 0 : i32
    %dma_start3A_102 = tpu.memref_slice %arg4[%dma_start3A_97, %add3A_96, %dma_start3A_101] : memref<4x4096x768xf32, #tpu.memory_space<hbm>> -> memref<1x64x768xf32, #tpu.memory_space<hbm>>
    %dma_start3A_103 = tpu.memref_squeeze %dma_start3A_102 : memref<1x64x768xf32, #tpu.memory_space<hbm>> -> memref<64x768xf32, #tpu.memory_space<hbm>>
    %dma_start3A_104 = arith.constant 0 : i32
    %dma_start3A_105 = tpu.memref_slice %arg4[%dma_start3A_97, %add3A_96, %dma_start3A_104] : memref<4x4096x768xf32, #tpu.memory_space<hbm>> -> memref<1x64x768xf32, #tpu.memory_space<hbm>>
    %dma_start3A_106 = tpu.memref_squeeze %dma_start3A_105 : memref<1x64x768xf32, #tpu.memory_space<hbm>> -> memref<64x768xf32, #tpu.memory_space<hbm>>
    %dma_start3A_107 = arith.constant 0 : i32
    %dma_start3A_108 = arith.constant 0 : i32
    %dma_start3A_109 = tpu.memref_slice %arg5[%dma_start3A_107, %dma_start3A_108] : memref<128x768xf32, #tpu.memory_space<vmem>> -> memref<64x768xf32, #tpu.memory_space<vmem>>
    tpu.enqueue_dma source(%dma_start3A_109 : memref<64x768xf32, #tpu.memory_space<vmem>>) target(%dma_start3A_106 : memref<64x768xf32, #tpu.memory_space<hbm>>) target_semaphore(%arg9 : memref<!tpu.dma_semaphore, #tpu.memory_space<semaphore_mem>>)
    %add3A_110 = arith.constant 0 : i32
    %add3A_111 = arith.addi %mul3A_2, %add3A_110 : i32
    %dma_start3A_112 = arith.constant 2 : i32
    %dma_start3A_113 = arith.constant 0 : i32
    %dma_start3A_114 = arith.constant 0 : i32
    %dma_start3A_115 = tpu.memref_slice %arg5[%dma_start3A_113, %dma_start3A_114] : memref<128x768xf32, #tpu.memory_space<vmem>> -> memref<64x768xf32, #tpu.memory_space<vmem>>
    %dma_start3A_116 = arith.constant 0 : i32
    %dma_start3A_117 = tpu.memref_slice %arg4[%dma_start3A_112, %add3A_111, %dma_start3A_116] : memref<4x4096x768xf32, #tpu.memory_space<hbm>> -> memref<1x64x768xf32, #tpu.memory_space<hbm>>
    %dma_start3A_118 = tpu.memref_squeeze %dma_start3A_117 : memref<1x64x768xf32, #tpu.memory_space<hbm>> -> memref<64x768xf32, #tpu.memory_space<hbm>>
    %dma_start3A_119 = arith.constant 0 : i32
    %dma_start3A_120 = tpu.memref_slice %arg4[%dma_start3A_112, %add3A_111, %dma_start3A_119] : memref<4x4096x768xf32, #tpu.memory_space<hbm>> -> memref<1x64x768xf32, #tpu.memory_space<hbm>>
    %dma_start3A_121 = tpu.memref_squeeze %dma_start3A_120 : memref<1x64x768xf32, #tpu.memory_space<hbm>> -> memref<64x768xf32, #tpu.memory_space<hbm>>
    %dma_start3A_122 = arith.constant 0 : i32
    %dma_start3A_123 = arith.constant 0 : i32
    %dma_start3A_124 = tpu.memref_slice %arg5[%dma_start3A_122, %dma_start3A_123] : memref<128x768xf32, #tpu.memory_space<vmem>> -> memref<64x768xf32, #tpu.memory_space<vmem>>
    tpu.enqueue_dma source(%dma_start3A_124 : memref<64x768xf32, #tpu.memory_space<vmem>>) target(%dma_start3A_121 : memref<64x768xf32, #tpu.memory_space<hbm>>) target_semaphore(%arg9 : memref<!tpu.dma_semaphore, #tpu.memory_space<semaphore_mem>>)
    %add3A_125 = arith.constant 0 : i32
    %add3A_126 = arith.addi %mul3A_2, %add3A_125 : i32
    %dma_start3A_127 = arith.constant 3 : i32
    %dma_start3A_128 = arith.constant 0 : i32
    %dma_start3A_129 = arith.constant 0 : i32
    %dma_start3A_130 = tpu.memref_slice %arg5[%dma_start3A_128, %dma_start3A_129] : memref<128x768xf32, #tpu.memory_space<vmem>> -> memref<64x768xf32, #tpu.memory_space<vmem>>
    %dma_start3A_131 = arith.constant 0 : i32
    %dma_start3A_132 = tpu.memref_slice %arg4[%dma_start3A_127, %add3A_126, %dma_start3A_131] : memref<4x4096x768xf32, #tpu.memory_space<hbm>> -> memref<1x64x768xf32, #tpu.memory_space<hbm>>
    %dma_start3A_133 = tpu.memref_squeeze %dma_start3A_132 : memref<1x64x768xf32, #tpu.memory_space<hbm>> -> memref<64x768xf32, #tpu.memory_space<hbm>>
    %dma_start3A_134 = arith.constant 0 : i32
    %dma_start3A_135 = tpu.memref_slice %arg4[%dma_start3A_127, %add3A_126, %dma_start3A_134] : memref<4x4096x768xf32, #tpu.memory_space<hbm>> -> memref<1x64x768xf32, #tpu.memory_space<hbm>>
    %dma_start3A_136 = tpu.memref_squeeze %dma_start3A_135 : memref<1x64x768xf32, #tpu.memory_space<hbm>> -> memref<64x768xf32, #tpu.memory_space<hbm>>
    %dma_start3A_137 = arith.constant 0 : i32
    %dma_start3A_138 = arith.constant 0 : i32
    %dma_start3A_139 = tpu.memref_slice %arg5[%dma_start3A_137, %dma_start3A_138] : memref<128x768xf32, #tpu.memory_space<vmem>> -> memref<64x768xf32, #tpu.memory_space<vmem>>
    tpu.enqueue_dma source(%dma_start3A_139 : memref<64x768xf32, #tpu.memory_space<vmem>>) target(%dma_start3A_136 : memref<64x768xf32, #tpu.memory_space<hbm>>) target_semaphore(%arg9 : memref<!tpu.dma_semaphore, #tpu.memory_space<semaphore_mem>>)
    %dma_wait3A_140 = arith.constant 0 : i32
    %dma_wait3A_141 = arith.constant 64 : i32
    %dma_wait3A_142 = arith.constant 0 : i32
    %dma_wait3A_143 = tpu.memref_slice %arg5[%dma_wait3A_141, %dma_wait3A_142] : memref<128x768xf32, #tpu.memory_space<vmem>> -> memref<64x768xf32, #tpu.memory_space<vmem>>
    %dma_wait3A_144 = arith.constant 0 : i32
    %dma_wait3A_145 = tpu.memref_slice %arg3[%dma_wait3A_140, %add3A_54, %dma_wait3A_144] : memref<1x4096x768xf32, #tpu.memory_space<hbm>> -> memref<1x64x768xf32, #tpu.memory_space<hbm>>
    %dma_wait3A_146 = tpu.memref_squeeze %dma_wait3A_145 : memref<1x64x768xf32, #tpu.memory_space<hbm>> -> memref<64x768xf32, #tpu.memory_space<hbm>>
    %dma_wait3A_147 = arith.constant 64 : i32
    %dma_wait3A_148 = arith.constant 0 : i32
    %dma_wait3A_149 = tpu.memref_slice %arg5[%dma_wait3A_147, %dma_wait3A_148] : memref<128x768xf32, #tpu.memory_space<vmem>> -> memref<64x768xf32, #tpu.memory_space<vmem>>
    %dma_wait3A_150 = arith.constant 0 : i32
    %dma_wait3A_151 = tpu.memref_slice %arg3[%dma_wait3A_140, %add3A_54, %dma_wait3A_150] : memref<1x4096x768xf32, #tpu.memory_space<hbm>> -> memref<1x64x768xf32, #tpu.memory_space<hbm>>
    %dma_wait3A_152 = tpu.memref_squeeze %dma_wait3A_151 : memref<1x64x768xf32, #tpu.memory_space<hbm>> -> memref<64x768xf32, #tpu.memory_space<hbm>>
    tpu.wait_dma2 semaphore(%arg11 : memref<!tpu.dma_semaphore, #tpu.memory_space<semaphore_mem>>) src(%dma_wait3A_152 : memref<64x768xf32, #tpu.memory_space<hbm>>) dst(%dma_wait3A_149 : memref<64x768xf32, #tpu.memory_space<vmem>>)
    %add3A_153 = arith.constant 64 : i32
    %add3A_154 = arith.addi %mul3A_2, %add3A_153 : i32
    %dma_start3A_155 = arith.constant 0 : i32
    %dma_start3A_156 = arith.constant 64 : i32
    %dma_start3A_157 = arith.constant 0 : i32
    %dma_start3A_158 = tpu.memref_slice %arg5[%dma_start3A_156, %dma_start3A_157] : memref<128x768xf32, #tpu.memory_space<vmem>> -> memref<64x768xf32, #tpu.memory_space<vmem>>
    %dma_start3A_159 = arith.constant 0 : i32
    %dma_start3A_160 = tpu.memref_slice %arg4[%dma_start3A_155, %add3A_154, %dma_start3A_159] : memref<4x4096x768xf32, #tpu.memory_space<hbm>> -> memref<1x64x768xf32, #tpu.memory_space<hbm>>
    %dma_start3A_161 = tpu.memref_squeeze %dma_start3A_160 : memref<1x64x768xf32, #tpu.memory_space<hbm>> -> memref<64x768xf32, #tpu.memory_space<hbm>>
    %dma_start3A_162 = arith.constant 0 : i32
    %dma_start3A_163 = tpu.memref_slice %arg4[%dma_start3A_155, %add3A_154, %dma_start3A_162] : memref<4x4096x768xf32, #tpu.memory_space<hbm>> -> memref<1x64x768xf32, #tpu.memory_space<hbm>>
    %dma_start3A_164 = tpu.memref_squeeze %dma_start3A_163 : memref<1x64x768xf32, #tpu.memory_space<hbm>> -> memref<64x768xf32, #tpu.memory_space<hbm>>
    %dma_start3A_165 = arith.constant 64 : i32
    %dma_start3A_166 = arith.constant 0 : i32
    %dma_start3A_167 = tpu.memref_slice %arg5[%dma_start3A_165, %dma_start3A_166] : memref<128x768xf32, #tpu.memory_space<vmem>> -> memref<64x768xf32, #tpu.memory_space<vmem>>
    tpu.enqueue_dma source(%dma_start3A_167 : memref<64x768xf32, #tpu.memory_space<vmem>>) target(%dma_start3A_164 : memref<64x768xf32, #tpu.memory_space<hbm>>) target_semaphore(%arg9 : memref<!tpu.dma_semaphore, #tpu.memory_space<semaphore_mem>>)
    %add3A_168 = arith.constant 64 : i32
    %add3A_169 = arith.addi %mul3A_2, %add3A_168 : i32
    %dma_start3A_170 = arith.constant 1 : i32
    %dma_start3A_171 = arith.constant 64 : i32
    %dma_start3A_172 = arith.constant 0 : i32
    %dma_start3A_173 = tpu.memref_slice %arg5[%dma_start3A_171, %dma_start3A_172] : memref<128x768xf32, #tpu.memory_space<vmem>> -> memref<64x768xf32, #tpu.memory_space<vmem>>
    %dma_start3A_174 = arith.constant 0 : i32
    %dma_start3A_175 = tpu.memref_slice %arg4[%dma_start3A_170, %add3A_169, %dma_start3A_174] : memref<4x4096x768xf32, #tpu.memory_space<hbm>> -> memref<1x64x768xf32, #tpu.memory_space<hbm>>
    %dma_start3A_176 = tpu.memref_squeeze %dma_start3A_175 : memref<1x64x768xf32, #tpu.memory_space<hbm>> -> memref<64x768xf32, #tpu.memory_space<hbm>>
    %dma_start3A_177 = arith.constant 0 : i32
    %dma_start3A_178 = tpu.memref_slice %arg4[%dma_start3A_170, %add3A_169, %dma_start3A_177] : memref<4x4096x768xf32, #tpu.memory_space<hbm>> -> memref<1x64x768xf32, #tpu.memory_space<hbm>>
    %dma_start3A_179 = tpu.memref_squeeze %dma_start3A_178 : memref<1x64x768xf32, #tpu.memory_space<hbm>> -> memref<64x768xf32, #tpu.memory_space<hbm>>
    %dma_start3A_180 = arith.constant 64 : i32
    %dma_start3A_181 = arith.constant 0 : i32
    %dma_start3A_182 = tpu.memref_slice %arg5[%dma_start3A_180, %dma_start3A_181] : memref<128x768xf32, #tpu.memory_space<vmem>> -> memref<64x768xf32, #tpu.memory_space<vmem>>
    tpu.enqueue_dma source(%dma_start3A_182 : memref<64x768xf32, #tpu.memory_space<vmem>>) target(%dma_start3A_179 : memref<64x768xf32, #tpu.memory_space<hbm>>) target_semaphore(%arg9 : memref<!tpu.dma_semaphore, #tpu.memory_space<semaphore_mem>>)
    %add3A_183 = arith.constant 64 : i32
    %add3A_184 = arith.addi %mul3A_2, %add3A_183 : i32
    %dma_start3A_185 = arith.constant 2 : i32
    %dma_start3A_186 = arith.constant 64 : i32
    %dma_start3A_187 = arith.constant 0 : i32
    %dma_start3A_188 = tpu.memref_slice %arg5[%dma_start3A_186, %dma_start3A_187] : memref<128x768xf32, #tpu.memory_space<vmem>> -> memref<64x768xf32, #tpu.memory_space<vmem>>
    %dma_start3A_189 = arith.constant 0 : i32
    %dma_start3A_190 = tpu.memref_slice %arg4[%dma_start3A_185, %add3A_184, %dma_start3A_189] : memref<4x4096x768xf32, #tpu.memory_space<hbm>> -> memref<1x64x768xf32, #tpu.memory_space<hbm>>
    %dma_start3A_191 = tpu.memref_squeeze %dma_start3A_190 : memref<1x64x768xf32, #tpu.memory_space<hbm>> -> memref<64x768xf32, #tpu.memory_space<hbm>>
    %dma_start3A_192 = arith.constant 0 : i32
    %dma_start3A_193 = tpu.memref_slice %arg4[%dma_start3A_185, %add3A_184, %dma_start3A_192] : memref<4x4096x768xf32, #tpu.memory_space<hbm>> -> memref<1x64x768xf32, #tpu.memory_space<hbm>>
    %dma_start3A_194 = tpu.memref_squeeze %dma_start3A_193 : memref<1x64x768xf32, #tpu.memory_space<hbm>> -> memref<64x768xf32, #tpu.memory_space<hbm>>
    %dma_start3A_195 = arith.constant 64 : i32
    %dma_start3A_196 = arith.constant 0 : i32
    %dma_start3A_197 = tpu.memref_slice %arg5[%dma_start3A_195, %dma_start3A_196] : memref<128x768xf32, #tpu.memory_space<vmem>> -> memref<64x768xf32, #tpu.memory_space<vmem>>
    tpu.enqueue_dma source(%dma_start3A_197 : memref<64x768xf32, #tpu.memory_space<vmem>>) target(%dma_start3A_194 : memref<64x768xf32, #tpu.memory_space<hbm>>) target_semaphore(%arg9 : memref<!tpu.dma_semaphore, #tpu.memory_space<semaphore_mem>>)
    %add3A_198 = arith.constant 64 : i32
    %add3A_199 = arith.addi %mul3A_2, %add3A_198 : i32
    %dma_start3A_200 = arith.constant 3 : i32
    %dma_start3A_201 = arith.constant 64 : i32
    %dma_start3A_202 = arith.constant 0 : i32
    %dma_start3A_203 = tpu.memref_slice %arg5[%dma_start3A_201, %dma_start3A_202] : memref<128x768xf32, #tpu.memory_space<vmem>> -> memref<64x768xf32, #tpu.memory_space<vmem>>
    %dma_start3A_204 = arith.constant 0 : i32
    %dma_start3A_205 = tpu.memref_slice %arg4[%dma_start3A_200, %add3A_199, %dma_start3A_204] : memref<4x4096x768xf32, #tpu.memory_space<hbm>> -> memref<1x64x768xf32, #tpu.memory_space<hbm>>
    %dma_start3A_206 = tpu.memref_squeeze %dma_start3A_205 : memref<1x64x768xf32, #tpu.memory_space<hbm>> -> memref<64x768xf32, #tpu.memory_space<hbm>>
    %dma_start3A_207 = arith.constant 0 : i32
    %dma_start3A_208 = tpu.memref_slice %arg4[%dma_start3A_200, %add3A_199, %dma_start3A_207] : memref<4x4096x768xf32, #tpu.memory_space<hbm>> -> memref<1x64x768xf32, #tpu.memory_space<hbm>>
    %dma_start3A_209 = tpu.memref_squeeze %dma_start3A_208 : memref<1x64x768xf32, #tpu.memory_space<hbm>> -> memref<64x768xf32, #tpu.memory_space<hbm>>
    %dma_start3A_210 = arith.constant 64 : i32
    %dma_start3A_211 = arith.constant 0 : i32
    %dma_start3A_212 = tpu.memref_slice %arg5[%dma_start3A_210, %dma_start3A_211] : memref<128x768xf32, #tpu.memory_space<vmem>> -> memref<64x768xf32, #tpu.memory_space<vmem>>
    tpu.enqueue_dma source(%dma_start3A_212 : memref<64x768xf32, #tpu.memory_space<vmem>>) target(%dma_start3A_209 : memref<64x768xf32, #tpu.memory_space<hbm>>) target_semaphore(%arg9 : memref<!tpu.dma_semaphore, #tpu.memory_space<semaphore_mem>>)
    %broadcast_in_dim3A = arith.constant 0.000000e+00 : f32
    %broadcast_in_dim3A_213 = vector.broadcast %broadcast_in_dim3A : f32 to vector<16xf32>
    %swap3A = arith.constant 0 : index
    %swap3A_214 = tpu.vector_load %arg7[%swap3A] {strides = array<i32>} : memref<768xf32, #tpu.memory_space<vmem>>, vector<16xf32>,
    tpu.vector_store %arg7[%swap3A], %broadcast_in_dim3A_213 {strides = array<i32>} : memref<768xf32, #tpu.memory_space<vmem>>, vector<16xf32>,
    %swap3A_215 = arith.constant 16 : index
    %swap3A_216 = tpu.vector_load %arg7[%swap3A_215] {strides = array<i32>} : memref<768xf32, #tpu.memory_space<vmem>>, vector<16xf32>,
    tpu.vector_store %arg7[%swap3A_215], %broadcast_in_dim3A_213 {strides = array<i32>} : memref<768xf32, #tpu.memory_space<vmem>>, vector<16xf32>,
    %swap3A_217 = arith.constant 32 : index
    %swap3A_218 = tpu.vector_load %arg7[%swap3A_217] {strides = array<i32>} : memref<768xf32, #tpu.memory_space<vmem>>, vector<16xf32>,
    tpu.vector_store %arg7[%swap3A_217], %broadcast_in_dim3A_213 {strides = array<i32>} : memref<768xf32, #tpu.memory_space<vmem>>, vector<16xf32>,
    %swap3A_219 = arith.constant 48 : index
    %swap3A_220 = tpu.vector_load %arg7[%swap3A_219] {strides = array<i32>} : memref<768xf32, #tpu.memory_space<vmem>>, vector<16xf32>,
    tpu.vector_store %arg7[%swap3A_219], %broadcast_in_dim3A_213 {strides = array<i32>} : memref<768xf32, #tpu.memory_space<vmem>>, vector<16xf32>,
    %swap3A_221 = arith.constant 64 : index
    %swap3A_222 = tpu.vector_load %arg7[%swap3A_221] {strides = array<i32>} : memref<768xf32, #tpu.memory_space<vmem>>, vector<16xf32>,
    tpu.vector_store %arg7[%swap3A_221], %broadcast_in_dim3A_213 {strides = array<i32>} : memref<768xf32, #tpu.memory_space<vmem>>, vector<16xf32>,
    %swap3A_223 = arith.constant 80 : index
    %swap3A_224 = tpu.vector_load %arg7[%swap3A_223] {strides = array<i32>} : memref<768xf32, #tpu.memory_space<vmem>>, vector<16xf32>,
    tpu.vector_store %arg7[%swap3A_223], %broadcast_in_dim3A_213 {strides = array<i32>} : memref<768xf32, #tpu.memory_space<vmem>>, vector<16xf32>,
    %swap3A_225 = arith.constant 96 : index
    %swap3A_226 = tpu.vector_load %arg7[%swap3A_225] {strides = array<i32>} : memref<768xf32, #tpu.memory_space<vmem>>, vector<16xf32>,
    tpu.vector_store %arg7[%swap3A_225], %broadcast_in_dim3A_213 {strides = array<i32>} : memref<768xf32, #tpu.memory_space<vmem>>, vector<16xf32>,
    %swap3A_227 = arith.constant 112 : index
    %swap3A_228 = tpu.vector_load %arg7[%swap3A_227] {strides = array<i32>} : memref<768xf32, #tpu.memory_space<vmem>>, vector<16xf32>,
    tpu.vector_store %arg7[%swap3A_227], %broadcast_in_dim3A_213 {strides = array<i32>} : memref<768xf32, #tpu.memory_space<vmem>>, vector<16xf32>,
    %swap3A_229 = arith.constant 128 : index
    %swap3A_230 = tpu.vector_load %arg7[%swap3A_229] {strides = array<i32>} : memref<768xf32, #tpu.memory_space<vmem>>, vector<16xf32>,
    tpu.vector_store %arg7[%swap3A_229], %broadcast_in_dim3A_213 {strides = array<i32>} : memref<768xf32, #tpu.memory_space<vmem>>, vector<16xf32>,
    %swap3A_231 = arith.constant 144 : index
    %swap3A_232 = tpu.vector_load %arg7[%swap3A_231] {strides = array<i32>} : memref<768xf32, #tpu.memory_space<vmem>>, vector<16xf32>,
    tpu.vector_store %arg7[%swap3A_231], %broadcast_in_dim3A_213 {strides = array<i32>} : memref<768xf32, #tpu.memory_space<vmem>>, vector<16xf32>,
    %swap3A_233 = arith.constant 160 : index
    %swap3A_234 = tpu.vector_load %arg7[%swap3A_233] {strides = array<i32>} : memref<768xf32, #tpu.memory_space<vmem>>, vector<16xf32>,
    tpu.vector_store %arg7[%swap3A_233], %broadcast_in_dim3A_213 {strides = array<i32>} : memref<768xf32, #tpu.memory_space<vmem>>, vector<16xf32>,
    %swap3A_235 = arith.constant 176 : index
    %swap3A_236 = tpu.vector_load %arg7[%swap3A_235] {strides = array<i32>} : memref<768xf32, #tpu.memory_space<vmem>>, vector<16xf32>,
    tpu.vector_store %arg7[%swap3A_235], %broadcast_in_dim3A_213 {strides = array<i32>} : memref<768xf32, #tpu.memory_space<vmem>>, vector<16xf32>,
    %swap3A_237 = arith.constant 192 : index
    %swap3A_238 = tpu.vector_load %arg7[%swap3A_237] {strides = array<i32>} : memref<768xf32, #tpu.memory_space<vmem>>, vector<16xf32>,
    tpu.vector_store %arg7[%swap3A_237], %broadcast_in_dim3A_213 {strides = array<i32>} : memref<768xf32, #tpu.memory_space<vmem>>, vector<16xf32>,
    %swap3A_239 = arith.constant 208 : index
    %swap3A_240 = tpu.vector_load %arg7[%swap3A_239] {strides = array<i32>} : memref<768xf32, #tpu.memory_space<vmem>>, vector<16xf32>,
    tpu.vector_store %arg7[%swap3A_239], %broadcast_in_dim3A_213 {strides = array<i32>} : memref<768xf32, #tpu.memory_space<vmem>>, vector<16xf32>,
    %swap3A_241 = arith.constant 224 : index
    %swap3A_242 = tpu.vector_load %arg7[%swap3A_241] {strides = array<i32>} : memref<768xf32, #tpu.memory_space<vmem>>, vector<16xf32>,
    tpu.vector_store %arg7[%swap3A_241], %broadcast_in_dim3A_213 {strides = array<i32>} : memref<768xf32, #tpu.memory_space<vmem>>, vector<16xf32>,
    %swap3A_243 = arith.constant 240 : index
    %swap3A_244 = tpu.vector_load %arg7[%swap3A_243] {strides = array<i32>} : memref<768xf32, #tpu.memory_space<vmem>>, vector<16xf32>,
    tpu.vector_store %arg7[%swap3A_243], %broadcast_in_dim3A_213 {strides = array<i32>} : memref<768xf32, #tpu.memory_space<vmem>>, vector<16xf32>,
    %swap3A_245 = arith.constant 256 : index
    %swap3A_246 = tpu.vector_load %arg7[%swap3A_245] {strides = array<i32>} : memref<768xf32, #tpu.memory_space<vmem>>, vector<16xf32>,
    tpu.vector_store %arg7[%swap3A_245], %broadcast_in_dim3A_213 {strides = array<i32>} : memref<768xf32, #tpu.memory_space<vmem>>, vector<16xf32>,
    %swap3A_247 = arith.constant 272 : index
    %swap3A_248 = tpu.vector_load %arg7[%swap3A_247] {strides = array<i32>} : memref<768xf32, #tpu.memory_space<vmem>>, vector<16xf32>,
    tpu.vector_store %arg7[%swap3A_247], %broadcast_in_dim3A_213 {strides = array<i32>} : memref<768xf32, #tpu.memory_space<vmem>>, vector<16xf32>,
    %swap3A_249 = arith.constant 288 : index
    %swap3A_250 = tpu.vector_load %arg7[%swap3A_249] {strides = array<i32>} : memref<768xf32, #tpu.memory_space<vmem>>, vector<16xf32>,
    tpu.vector_store %arg7[%swap3A_249], %broadcast_in_dim3A_213 {strides = array<i32>} : memref<768xf32, #tpu.memory_space<vmem>>, vector<16xf32>,
    %swap3A_251 = arith.constant 304 : index
    %swap3A_252 = tpu.vector_load %arg7[%swap3A_251] {strides = array<i32>} : memref<768xf32, #tpu.memory_space<vmem>>, vector<16xf32>,
    tpu.vector_store %arg7[%swap3A_251], %broadcast_in_dim3A_213 {strides = array<i32>} : memref<768xf32, #tpu.memory_space<vmem>>, vector<16xf32>,
    %swap3A_253 = arith.constant 320 : index
    %swap3A_254 = tpu.vector_load %arg7[%swap3A_253] {strides = array<i32>} : memref<768xf32, #tpu.memory_space<vmem>>, vector<16xf32>,
    tpu.vector_store %arg7[%swap3A_253], %broadcast_in_dim3A_213 {strides = array<i32>} : memref<768xf32, #tpu.memory_space<vmem>>, vector<16xf32>,
    %swap3A_255 = arith.constant 336 : index
    %swap3A_256 = tpu.vector_load %arg7[%swap3A_255] {strides = array<i32>} : memref<768xf32, #tpu.memory_space<vmem>>, vector<16xf32>,
    tpu.vector_store %arg7[%swap3A_255], %broadcast_in_dim3A_213 {strides = array<i32>} : memref<768xf32, #tpu.memory_space<vmem>>, vector<16xf32>,
    %swap3A_257 = arith.constant 352 : index
    %swap3A_258 = tpu.vector_load %arg7[%swap3A_257] {strides = array<i32>} : memref<768xf32, #tpu.memory_space<vmem>>, vector<16xf32>,
    tpu.vector_store %arg7[%swap3A_257], %broadcast_in_dim3A_213 {strides = array<i32>} : memref<768xf32, #tpu.memory_space<vmem>>, vector<16xf32>,
    %swap3A_259 = arith.constant 368 : index
    %swap3A_260 = tpu.vector_load %arg7[%swap3A_259] {strides = array<i32>} : memref<768xf32, #tpu.memory_space<vmem>>, vector<16xf32>,
    tpu.vector_store %arg7[%swap3A_259], %broadcast_in_dim3A_213 {strides = array<i32>} : memref<768xf32, #tpu.memory_space<vmem>>, vector<16xf32>,
    %swap3A_261 = arith.constant 384 : index
    %swap3A_262 = tpu.vector_load %arg7[%swap3A_261] {strides = array<i32>} : memref<768xf32, #tpu.memory_space<vmem>>, vector<16xf32>,
    tpu.vector_store %arg7[%swap3A_261], %broadcast_in_dim3A_213 {strides = array<i32>} : memref<768xf32, #tpu.memory_space<vmem>>, vector<16xf32>,
    %swap3A_263 = arith.constant 400 : index
    %swap3A_264 = tpu.vector_load %arg7[%swap3A_263] {strides = array<i32>} : memref<768xf32, #tpu.memory_space<vmem>>, vector<16xf32>,
    tpu.vector_store %arg7[%swap3A_263], %broadcast_in_dim3A_213 {strides = array<i32>} : memref<768xf32, #tpu.memory_space<vmem>>, vector<16xf32>,
    %swap3A_265 = arith.constant 416 : index
    %swap3A_266 = tpu.vector_load %arg7[%swap3A_265] {strides = array<i32>} : memref<768xf32, #tpu.memory_space<vmem>>, vector<16xf32>,
    tpu.vector_store %arg7[%swap3A_265], %broadcast_in_dim3A_213 {strides = array<i32>} : memref<768xf32, #tpu.memory_space<vmem>>, vector<16xf32>,
    %swap3A_267 = arith.constant 432 : index
    %swap3A_268 = tpu.vector_load %arg7[%swap3A_267] {strides = array<i32>} : memref<768xf32, #tpu.memory_space<vmem>>, vector<16xf32>,
    tpu.vector_store %arg7[%swap3A_267], %broadcast_in_dim3A_213 {strides = array<i32>} : memref<768xf32, #tpu.memory_space<vmem>>, vector<16xf32>,
    %swap3A_269 = arith.constant 448 : index
    %swap3A_270 = tpu.vector_load %arg7[%swap3A_269] {strides = array<i32>} : memref<768xf32, #tpu.memory_space<vmem>>, vector<16xf32>,
    tpu.vector_store %arg7[%swap3A_269], %broadcast_in_dim3A_213 {strides = array<i32>} : memref<768xf32, #tpu.memory_space<vmem>>, vector<16xf32>,
    %swap3A_271 = arith.constant 464 : index
    %swap3A_272 = tpu.vector_load %arg7[%swap3A_271] {strides = array<i32>} : memref<768xf32, #tpu.memory_space<vmem>>, vector<16xf32>,
    tpu.vector_store %arg7[%swap3A_271], %broadcast_in_dim3A_213 {strides = array<i32>} : memref<768xf32, #tpu.memory_space<vmem>>, vector<16xf32>,
    %swap3A_273 = arith.constant 480 : index
    %swap3A_274 = tpu.vector_load %arg7[%swap3A_273] {strides = array<i32>} : memref<768xf32, #tpu.memory_space<vmem>>, vector<16xf32>,
    tpu.vector_store %arg7[%swap3A_273], %broadcast_in_dim3A_213 {strides = array<i32>} : memref<768xf32, #tpu.memory_space<vmem>>, vector<16xf32>,
    %swap3A_275 = arith.constant 496 : index
    %swap3A_276 = tpu.vector_load %arg7[%swap3A_275] {strides = array<i32>} : memref<768xf32, #tpu.memory_space<vmem>>, vector<16xf32>,
    tpu.vector_store %arg7[%swap3A_275], %broadcast_in_dim3A_213 {strides = array<i32>} : memref<768xf32, #tpu.memory_space<vmem>>, vector<16xf32>,
    %swap3A_277 = arith.constant 512 : index
    %swap3A_278 = tpu.vector_load %arg7[%swap3A_277] {strides = array<i32>} : memref<768xf32, #tpu.memory_space<vmem>>, vector<16xf32>,
    tpu.vector_store %arg7[%swap3A_277], %broadcast_in_dim3A_213 {strides = array<i32>} : memref<768xf32, #tpu.memory_space<vmem>>, vector<16xf32>,
    %swap3A_279 = arith.constant 528 : index
    %swap3A_280 = tpu.vector_load %arg7[%swap3A_279] {strides = array<i32>} : memref<768xf32, #tpu.memory_space<vmem>>, vector<16xf32>,
    tpu.vector_store %arg7[%swap3A_279], %broadcast_in_dim3A_213 {strides = array<i32>} : memref<768xf32, #tpu.memory_space<vmem>>, vector<16xf32>,
    %swap3A_281 = arith.constant 544 : index
    %swap3A_282 = tpu.vector_load %arg7[%swap3A_281] {strides = array<i32>} : memref<768xf32, #tpu.memory_space<vmem>>, vector<16xf32>,
    tpu.vector_store %arg7[%swap3A_281], %broadcast_in_dim3A_213 {strides = array<i32>} : memref<768xf32, #tpu.memory_space<vmem>>, vector<16xf32>,
    %swap3A_283 = arith.constant 560 : index
    %swap3A_284 = tpu.vector_load %arg7[%swap3A_283] {strides = array<i32>} : memref<768xf32, #tpu.memory_space<vmem>>, vector<16xf32>,
    tpu.vector_store %arg7[%swap3A_283], %broadcast_in_dim3A_213 {strides = array<i32>} : memref<768xf32, #tpu.memory_space<vmem>>, vector<16xf32>,
    %swap3A_285 = arith.constant 576 : index
    %swap3A_286 = tpu.vector_load %arg7[%swap3A_285] {strides = array<i32>} : memref<768xf32, #tpu.memory_space<vmem>>, vector<16xf32>,
    tpu.vector_store %arg7[%swap3A_285], %broadcast_in_dim3A_213 {strides = array<i32>} : memref<768xf32, #tpu.memory_space<vmem>>, vector<16xf32>,
    %swap3A_287 = arith.constant 592 : index
    %swap3A_288 = tpu.vector_load %arg7[%swap3A_287] {strides = array<i32>} : memref<768xf32, #tpu.memory_space<vmem>>, vector<16xf32>,
    tpu.vector_store %arg7[%swap3A_287], %broadcast_in_dim3A_213 {strides = array<i32>} : memref<768xf32, #tpu.memory_space<vmem>>, vector<16xf32>,
    %swap3A_289 = arith.constant 608 : index
    %swap3A_290 = tpu.vector_load %arg7[%swap3A_289] {strides = array<i32>} : memref<768xf32, #tpu.memory_space<vmem>>, vector<16xf32>,
    tpu.vector_store %arg7[%swap3A_289], %broadcast_in_dim3A_213 {strides = array<i32>} : memref<768xf32, #tpu.memory_space<vmem>>, vector<16xf32>,
    %swap3A_291 = arith.constant 624 : index
    %swap3A_292 = tpu.vector_load %arg7[%swap3A_291] {strides = array<i32>} : memref<768xf32, #tpu.memory_space<vmem>>, vector<16xf32>,
    tpu.vector_store %arg7[%swap3A_291], %broadcast_in_dim3A_213 {strides = array<i32>} : memref<768xf32, #tpu.memory_space<vmem>>, vector<16xf32>,
    %swap3A_293 = arith.constant 640 : index
    %swap3A_294 = tpu.vector_load %arg7[%swap3A_293] {strides = array<i32>} : memref<768xf32, #tpu.memory_space<vmem>>, vector<16xf32>,
    tpu.vector_store %arg7[%swap3A_293], %broadcast_in_dim3A_213 {strides = array<i32>} : memref<768xf32, #tpu.memory_space<vmem>>, vector<16xf32>,
    %swap3A_295 = arith.constant 656 : index
    %swap3A_296 = tpu.vector_load %arg7[%swap3A_295] {strides = array<i32>} : memref<768xf32, #tpu.memory_space<vmem>>, vector<16xf32>,
    tpu.vector_store %arg7[%swap3A_295], %broadcast_in_dim3A_213 {strides = array<i32>} : memref<768xf32, #tpu.memory_space<vmem>>, vector<16xf32>,
    %swap3A_297 = arith.constant 672 : index
    %swap3A_298 = tpu.vector_load %arg7[%swap3A_297] {strides = array<i32>} : memref<768xf32, #tpu.memory_space<vmem>>, vector<16xf32>,
    tpu.vector_store %arg7[%swap3A_297], %broadcast_in_dim3A_213 {strides = array<i32>} : memref<768xf32, #tpu.memory_space<vmem>>, vector<16xf32>,
    %swap3A_299 = arith.constant 688 : index
    %swap3A_300 = tpu.vector_load %arg7[%swap3A_299] {strides = array<i32>} : memref<768xf32, #tpu.memory_space<vmem>>, vector<16xf32>,
    tpu.vector_store %arg7[%swap3A_299], %broadcast_in_dim3A_213 {strides = array<i32>} : memref<768xf32, #tpu.memory_space<vmem>>, vector<16xf32>,
    %swap3A_301 = arith.constant 704 : index
    %swap3A_302 = tpu.vector_load %arg7[%swap3A_301] {strides = array<i32>} : memref<768xf32, #tpu.memory_space<vmem>>, vector<16xf32>,
    tpu.vector_store %arg7[%swap3A_301], %broadcast_in_dim3A_213 {strides = array<i32>} : memref<768xf32, #tpu.memory_space<vmem>>, vector<16xf32>,
    %swap3A_303 = arith.constant 720 : index
    %swap3A_304 = tpu.vector_load %arg7[%swap3A_303] {strides = array<i32>} : memref<768xf32, #tpu.memory_space<vmem>>, vector<16xf32>,
    tpu.vector_store %arg7[%swap3A_303], %broadcast_in_dim3A_213 {strides = array<i32>} : memref<768xf32, #tpu.memory_space<vmem>>, vector<16xf32>,
    %swap3A_305 = arith.constant 736 : index
    %swap3A_306 = tpu.vector_load %arg7[%swap3A_305] {strides = array<i32>} : memref<768xf32, #tpu.memory_space<vmem>>, vector<16xf32>,
    tpu.vector_store %arg7[%swap3A_305], %broadcast_in_dim3A_213 {strides = array<i32>} : memref<768xf32, #tpu.memory_space<vmem>>, vector<16xf32>,
    %swap3A_307 = arith.constant 752 : index
    %swap3A_308 = tpu.vector_load %arg7[%swap3A_307] {strides = array<i32>} : memref<768xf32, #tpu.memory_space<vmem>>, vector<16xf32>,
    tpu.vector_store %arg7[%swap3A_307], %broadcast_in_dim3A_213 {strides = array<i32>} : memref<768xf32, #tpu.memory_space<vmem>>, vector<16xf32>,
    %dma_wait3A_309 = arith.constant 0 : i32
    %dma_wait3A_310 = arith.constant 0 : i32
    %dma_wait3A_311 = tpu.memref_slice %arg6[%dma_wait3A_310] : memref<512xi32, #tpu.memory_space<vmem>> -> memref<128xi32, #tpu.memory_space<vmem>>
    %dma_wait3A_312 = tpu.memref_slice %arg2[%dma_wait3A_309, %mul3A_2] : memref<4x4096xi32, #tpu.memory_space<hbm>> -> memref<1x128xi32, #tpu.memory_space<hbm>>
    %dma_wait3A_313 = tpu.memref_squeeze %dma_wait3A_312 : memref<1x128xi32, #tpu.memory_space<hbm>> -> memref<128xi32, #tpu.memory_space<hbm>>
    %dma_wait3A_314 = arith.constant 0 : i32
    %dma_wait3A_315 = tpu.memref_slice %arg6[%dma_wait3A_314] : memref<512xi32, #tpu.memory_space<vmem>> -> memref<128xi32, #tpu.memory_space<vmem>>
    %dma_wait3A_316 = tpu.memref_slice %arg2[%dma_wait3A_309, %mul3A_2] : memref<4x4096xi32, #tpu.memory_space<hbm>> -> memref<1x128xi32, #tpu.memory_space<hbm>>
    %dma_wait3A_317 = tpu.memref_squeeze %dma_wait3A_316 : memref<1x128xi32, #tpu.memory_space<hbm>> -> memref<128xi32, #tpu.memory_space<hbm>>
    tpu.wait_dma2 semaphore(%arg8 : memref<!tpu.dma_semaphore, #tpu.memory_space<semaphore_mem>>) src(%dma_wait3A_317 : memref<128xi32, #tpu.memory_space<hbm>>) dst(%dma_wait3A_315 : memref<128xi32, #tpu.memory_space<vmem>>)
    %dma_wait3A_318 = arith.constant 1 : i32
    %dma_wait3A_319 = arith.constant 128 : i32
    %dma_wait3A_320 = tpu.memref_slice %arg6[%dma_wait3A_319] : memref<512xi32, #tpu.memory_space<vmem>> -> memref<128xi32, #tpu.memory_space<vmem>>
    %dma_wait3A_321 = tpu.memref_slice %arg2[%dma_wait3A_318, %mul3A_2] : memref<4x4096xi32, #tpu.memory_space<hbm>> -> memref<1x128xi32, #tpu.memory_space<hbm>>
    %dma_wait3A_322 = tpu.memref_squeeze %dma_wait3A_321 : memref<1x128xi32, #tpu.memory_space<hbm>> -> memref<128xi32, #tpu.memory_space<hbm>>
    %dma_wait3A_323 = arith.constant 128 : i32
    %dma_wait3A_324 = tpu.memref_slice %arg6[%dma_wait3A_323] : memref<512xi32, #tpu.memory_space<vmem>> -> memref<128xi32, #tpu.memory_space<vmem>>
    %dma_wait3A_325 = tpu.memref_slice %arg2[%dma_wait3A_318, %mul3A_2] : memref<4x4096xi32, #tpu.memory_space<hbm>> -> memref<1x128xi32, #tpu.memory_space<hbm>>
    %dma_wait3A_326 = tpu.memref_squeeze %dma_wait3A_325 : memref<1x128xi32, #tpu.memory_space<hbm>> -> memref<128xi32, #tpu.memory_space<hbm>>
    tpu.wait_dma2 semaphore(%arg8 : memref<!tpu.dma_semaphore, #tpu.memory_space<semaphore_mem>>) src(%dma_wait3A_326 : memref<128xi32, #tpu.memory_space<hbm>>) dst(%dma_wait3A_324 : memref<128xi32, #tpu.memory_space<vmem>>)
    %dma_wait3A_327 = arith.constant 2 : i32
    %dma_wait3A_328 = arith.constant 256 : i32
    %dma_wait3A_329 = tpu.memref_slice %arg6[%dma_wait3A_328] : memref<512xi32, #tpu.memory_space<vmem>> -> memref<128xi32, #tpu.memory_space<vmem>>
    %dma_wait3A_330 = tpu.memref_slice %arg2[%dma_wait3A_327, %mul3A_2] : memref<4x4096xi32, #tpu.memory_space<hbm>> -> memref<1x128xi32, #tpu.memory_space<hbm>>
    %dma_wait3A_331 = tpu.memref_squeeze %dma_wait3A_330 : memref<1x128xi32, #tpu.memory_space<hbm>> -> memref<128xi32, #tpu.memory_space<hbm>>
    %dma_wait3A_332 = arith.constant 256 : i32
    %dma_wait3A_333 = tpu.memref_slice %arg6[%dma_wait3A_332] : memref<512xi32, #tpu.memory_space<vmem>> -> memref<128xi32, #tpu.memory_space<vmem>>
    %dma_wait3A_334 = tpu.memref_slice %arg2[%dma_wait3A_327, %mul3A_2] : memref<4x4096xi32, #tpu.memory_space<hbm>> -> memref<1x128xi32, #tpu.memory_space<hbm>>
    %dma_wait3A_335 = tpu.memref_squeeze %dma_wait3A_334 : memref<1x128xi32, #tpu.memory_space<hbm>> -> memref<128xi32, #tpu.memory_space<hbm>>
    tpu.wait_dma2 semaphore(%arg8 : memref<!tpu.dma_semaphore, #tpu.memory_space<semaphore_mem>>) src(%dma_wait3A_335 : memref<128xi32, #tpu.memory_space<hbm>>) dst(%dma_wait3A_333 : memref<128xi32, #tpu.memory_space<vmem>>)
    %dma_wait3A_336 = arith.constant 3 : i32
    %dma_wait3A_337 = arith.constant 384 : i32
    %dma_wait3A_338 = tpu.memref_slice %arg6[%dma_wait3A_337] : memref<512xi32, #tpu.memory_space<vmem>> -> memref<128xi32, #tpu.memory_space<vmem>>
    %dma_wait3A_339 = tpu.memref_slice %arg2[%dma_wait3A_336, %mul3A_2] : memref<4x4096xi32, #tpu.memory_space<hbm>> -> memref<1x128xi32, #tpu.memory_space<hbm>>
    %dma_wait3A_340 = tpu.memref_squeeze %dma_wait3A_339 : memref<1x128xi32, #tpu.memory_space<hbm>> -> memref<128xi32, #tpu.memory_space<hbm>>
    %dma_wait3A_341 = arith.constant 384 : i32
    %dma_wait3A_342 = tpu.memref_slice %arg6[%dma_wait3A_341] : memref<512xi32, #tpu.memory_space<vmem>> -> memref<128xi32, #tpu.memory_space<vmem>>
    %dma_wait3A_343 = tpu.memref_slice %arg2[%dma_wait3A_336, %mul3A_2] : memref<4x4096xi32, #tpu.memory_space<hbm>> -> memref<1x128xi32, #tpu.memory_space<hbm>>
    %dma_wait3A_344 = tpu.memref_squeeze %dma_wait3A_343 : memref<1x128xi32, #tpu.memory_space<hbm>> -> memref<128xi32, #tpu.memory_space<hbm>>
    tpu.wait_dma2 semaphore(%arg8 : memref<!tpu.dma_semaphore, #tpu.memory_space<semaphore_mem>>) src(%dma_wait3A_344 : memref<128xi32, #tpu.memory_space<hbm>>) dst(%dma_wait3A_342 : memref<128xi32, #tpu.memory_space<vmem>>)
    %dma_wait3A_345 = arith.constant 0 : i32
    %dma_wait3A_346 = arith.constant 0 : i32
    %dma_wait3A_347 = arith.constant 0 : i32
    %dma_wait3A_348 = tpu.memref_slice %arg5[%dma_wait3A_346, %dma_wait3A_347] : memref<128x768xf32, #tpu.memory_space<vmem>> -> memref<64x768xf32, #tpu.memory_space<vmem>>
    %dma_wait3A_349 = arith.constant 0 : i32
    %dma_wait3A_350 = tpu.memref_slice %arg4[%dma_wait3A_345, %add3A_81, %dma_wait3A_349] : memref<4x4096x768xf32, #tpu.memory_space<hbm>> -> memref<1x64x768xf32, #tpu.memory_space<hbm>>
    %dma_wait3A_351 = tpu.memref_squeeze %dma_wait3A_350 : memref<1x64x768xf32, #tpu.memory_space<hbm>> -> memref<64x768xf32, #tpu.memory_space<hbm>>
    %dma_wait3A_352 = arith.constant 0 : i32
    %dma_wait3A_353 = tpu.memref_slice %arg4[%dma_wait3A_345, %add3A_81, %dma_wait3A_352] : memref<4x4096x768xf32, #tpu.memory_space<hbm>> -> memref<1x64x768xf32, #tpu.memory_space<hbm>>
    %dma_wait3A_354 = tpu.memref_squeeze %dma_wait3A_353 : memref<1x64x768xf32, #tpu.memory_space<hbm>> -> memref<64x768xf32, #tpu.memory_space<hbm>>
    %dma_wait3A_355 = arith.constant 0 : i32
    %dma_wait3A_356 = arith.constant 0 : i32
    %dma_wait3A_357 = tpu.memref_slice %arg5[%dma_wait3A_355, %dma_wait3A_356] : memref<128x768xf32, #tpu.memory_space<vmem>> -> memref<64x768xf32, #tpu.memory_space<vmem>>
    tpu.wait_dma2 semaphore(%arg9 : memref<!tpu.dma_semaphore, #tpu.memory_space<semaphore_mem>>) src(%dma_wait3A_357 : memref<64x768xf32, #tpu.memory_space<vmem>>) dst(%dma_wait3A_354 : memref<64x768xf32, #tpu.memory_space<hbm>>)
    %dma_wait3A_358 = arith.constant 1 : i32
    %dma_wait3A_359 = arith.constant 0 : i32
    %dma_wait3A_360 = arith.constant 0 : i32
    %dma_wait3A_361 = tpu.memref_slice %arg5[%dma_wait3A_359, %dma_wait3A_360] : memref<128x768xf32, #tpu.memory_space<vmem>> -> memref<64x768xf32, #tpu.memory_space<vmem>>
    %dma_wait3A_362 = arith.constant 0 : i32
    %dma_wait3A_363 = tpu.memref_slice %arg4[%dma_wait3A_358, %add3A_96, %dma_wait3A_362] : memref<4x4096x768xf32, #tpu.memory_space<hbm>> -> memref<1x64x768xf32, #tpu.memory_space<hbm>>
    %dma_wait3A_364 = tpu.memref_squeeze %dma_wait3A_363 : memref<1x64x768xf32, #tpu.memory_space<hbm>> -> memref<64x768xf32, #tpu.memory_space<hbm>>
    %dma_wait3A_365 = arith.constant 0 : i32
    %dma_wait3A_366 = tpu.memref_slice %arg4[%dma_wait3A_358, %add3A_96, %dma_wait3A_365] : memref<4x4096x768xf32, #tpu.memory_space<hbm>> -> memref<1x64x768xf32, #tpu.memory_space<hbm>>
    %dma_wait3A_367 = tpu.memref_squeeze %dma_wait3A_366 : memref<1x64x768xf32, #tpu.memory_space<hbm>> -> memref<64x768xf32, #tpu.memory_space<hbm>>
    %dma_wait3A_368 = arith.constant 0 : i32
    %dma_wait3A_369 = arith.constant 0 : i32
    %dma_wait3A_370 = tpu.memref_slice %arg5[%dma_wait3A_368, %dma_wait3A_369] : memref<128x768xf32, #tpu.memory_space<vmem>> -> memref<64x768xf32, #tpu.memory_space<vmem>>
    tpu.wait_dma2 semaphore(%arg9 : memref<!tpu.dma_semaphore, #tpu.memory_space<semaphore_mem>>) src(%dma_wait3A_370 : memref<64x768xf32, #tpu.memory_space<vmem>>) dst(%dma_wait3A_367 : memref<64x768xf32, #tpu.memory_space<hbm>>)
    %dma_wait3A_371 = arith.constant 2 : i32
    %dma_wait3A_372 = arith.constant 0 : i32
    %dma_wait3A_373 = arith.constant 0 : i32
    %dma_wait3A_374 = tpu.memref_slice %arg5[%dma_wait3A_372, %dma_wait3A_373] : memref<128x768xf32, #tpu.memory_space<vmem>> -> memref<64x768xf32, #tpu.memory_space<vmem>>
    %dma_wait3A_375 = arith.constant 0 : i32
    %dma_wait3A_376 = tpu.memref_slice %arg4[%dma_wait3A_371, %add3A_111, %dma_wait3A_375] : memref<4x4096x768xf32, #tpu.memory_space<hbm>> -> memref<1x64x768xf32, #tpu.memory_space<hbm>>
    %dma_wait3A_377 = tpu.memref_squeeze %dma_wait3A_376 : memref<1x64x768xf32, #tpu.memory_space<hbm>> -> memref<64x768xf32, #tpu.memory_space<hbm>>
    %dma_wait3A_378 = arith.constant 0 : i32
    %dma_wait3A_379 = tpu.memref_slice %arg4[%dma_wait3A_371, %add3A_111, %dma_wait3A_378] : memref<4x4096x768xf32, #tpu.memory_space<hbm>> -> memref<1x64x768xf32, #tpu.memory_space<hbm>>
    %dma_wait3A_380 = tpu.memref_squeeze %dma_wait3A_379 : memref<1x64x768xf32, #tpu.memory_space<hbm>> -> memref<64x768xf32, #tpu.memory_space<hbm>>
    %dma_wait3A_381 = arith.constant 0 : i32
    %dma_wait3A_382 = arith.constant 0 : i32
    %dma_wait3A_383 = tpu.memref_slice %arg5[%dma_wait3A_381, %dma_wait3A_382] : memref<128x768xf32, #tpu.memory_space<vmem>> -> memref<64x768xf32, #tpu.memory_space<vmem>>
    tpu.wait_dma2 semaphore(%arg9 : memref<!tpu.dma_semaphore, #tpu.memory_space<semaphore_mem>>) src(%dma_wait3A_383 : memref<64x768xf32, #tpu.memory_space<vmem>>) dst(%dma_wait3A_380 : memref<64x768xf32, #tpu.memory_space<hbm>>)
    %dma_wait3A_384 = arith.constant 3 : i32
    %dma_wait3A_385 = arith.constant 0 : i32
    %dma_wait3A_386 = arith.constant 0 : i32
    %dma_wait3A_387 = tpu.memref_slice %arg5[%dma_wait3A_385, %dma_wait3A_386] : memref<128x768xf32, #tpu.memory_space<vmem>> -> memref<64x768xf32, #tpu.memory_space<vmem>>
    %dma_wait3A_388 = arith.constant 0 : i32
    %dma_wait3A_389 = tpu.memref_slice %arg4[%dma_wait3A_384, %add3A_126, %dma_wait3A_388] : memref<4x4096x768xf32, #tpu.memory_space<hbm>> -> memref<1x64x768xf32, #tpu.memory_space<hbm>>
    %dma_wait3A_390 = tpu.memref_squeeze %dma_wait3A_389 : memref<1x64x768xf32, #tpu.memory_space<hbm>> -> memref<64x768xf32, #tpu.memory_space<hbm>>
    %dma_wait3A_391 = arith.constant 0 : i32
    %dma_wait3A_392 = tpu.memref_slice %arg4[%dma_wait3A_384, %add3A_126, %dma_wait3A_391] : memref<4x4096x768xf32, #tpu.memory_space<hbm>> -> memref<1x64x768xf32, #tpu.memory_space<hbm>>
    %dma_wait3A_393 = tpu.memref_squeeze %dma_wait3A_392 : memref<1x64x768xf32, #tpu.memory_space<hbm>> -> memref<64x768xf32, #tpu.memory_space<hbm>>
    %dma_wait3A_394 = arith.constant 0 : i32
    %dma_wait3A_395 = arith.constant 0 : i32
    %dma_wait3A_396 = tpu.memref_slice %arg5[%dma_wait3A_394, %dma_wait3A_395] : memref<128x768xf32, #tpu.memory_space<vmem>> -> memref<64x768xf32, #tpu.memory_space<vmem>>
    tpu.wait_dma2 semaphore(%arg9 : memref<!tpu.dma_semaphore, #tpu.memory_space<semaphore_mem>>) src(%dma_wait3A_396 : memref<64x768xf32, #tpu.memory_space<vmem>>) dst(%dma_wait3A_393 : memref<64x768xf32, #tpu.memory_space<hbm>>)
    %dma_wait3A_397 = arith.constant 0 : i32
    %dma_wait3A_398 = arith.constant 64 : i32
    %dma_wait3A_399 = arith.constant 0 : i32
    %dma_wait3A_400 = tpu.memref_slice %arg5[%dma_wait3A_398, %dma_wait3A_399] : memref<128x768xf32, #tpu.memory_space<vmem>> -> memref<64x768xf32, #tpu.memory_space<vmem>>
    %dma_wait3A_401 = arith.constant 0 : i32
    %dma_wait3A_402 = tpu.memref_slice %arg4[%dma_wait3A_397, %add3A_154, %dma_wait3A_401] : memref<4x4096x768xf32, #tpu.memory_space<hbm>> -> memref<1x64x768xf32, #tpu.memory_space<hbm>>
    %dma_wait3A_403 = tpu.memref_squeeze %dma_wait3A_402 : memref<1x64x768xf32, #tpu.memory_space<hbm>> -> memref<64x768xf32, #tpu.memory_space<hbm>>
    %dma_wait3A_404 = arith.constant 0 : i32
    %dma_wait3A_405 = tpu.memref_slice %arg4[%dma_wait3A_397, %add3A_154, %dma_wait3A_404] : memref<4x4096x768xf32, #tpu.memory_space<hbm>> -> memref<1x64x768xf32, #tpu.memory_space<hbm>>
    %dma_wait3A_406 = tpu.memref_squeeze %dma_wait3A_405 : memref<1x64x768xf32, #tpu.memory_space<hbm>> -> memref<64x768xf32, #tpu.memory_space<hbm>>
    %dma_wait3A_407 = arith.constant 64 : i32
    %dma_wait3A_408 = arith.constant 0 : i32
    %dma_wait3A_409 = tpu.memref_slice %arg5[%dma_wait3A_407, %dma_wait3A_408] : memref<128x768xf32, #tpu.memory_space<vmem>> -> memref<64x768xf32, #tpu.memory_space<vmem>>
    tpu.wait_dma2 semaphore(%arg9 : memref<!tpu.dma_semaphore, #tpu.memory_space<semaphore_mem>>) src(%dma_wait3A_409 : memref<64x768xf32, #tpu.memory_space<vmem>>) dst(%dma_wait3A_406 : memref<64x768xf32, #tpu.memory_space<hbm>>)
    %dma_wait3A_410 = arith.constant 1 : i32
    %dma_wait3A_411 = arith.constant 64 : i32
    %dma_wait3A_412 = arith.constant 0 : i32
    %dma_wait3A_413 = tpu.memref_slice %arg5[%dma_wait3A_411, %dma_wait3A_412] : memref<128x768xf32, #tpu.memory_space<vmem>> -> memref<64x768xf32, #tpu.memory_space<vmem>>
    %dma_wait3A_414 = arith.constant 0 : i32
    %dma_wait3A_415 = tpu.memref_slice %arg4[%dma_wait3A_410, %add3A_169, %dma_wait3A_414] : memref<4x4096x768xf32, #tpu.memory_space<hbm>> -> memref<1x64x768xf32, #tpu.memory_space<hbm>>
    %dma_wait3A_416 = tpu.memref_squeeze %dma_wait3A_415 : memref<1x64x768xf32, #tpu.memory_space<hbm>> -> memref<64x768xf32, #tpu.memory_space<hbm>>
    %dma_wait3A_417 = arith.constant 0 : i32
    %dma_wait3A_418 = tpu.memref_slice %arg4[%dma_wait3A_410, %add3A_169, %dma_wait3A_417] : memref<4x4096x768xf32, #tpu.memory_space<hbm>> -> memref<1x64x768xf32, #tpu.memory_space<hbm>>
    %dma_wait3A_419 = tpu.memref_squeeze %dma_wait3A_418 : memref<1x64x768xf32, #tpu.memory_space<hbm>> -> memref<64x768xf32, #tpu.memory_space<hbm>>
    %dma_wait3A_420 = arith.constant 64 : i32
    %dma_wait3A_421 = arith.constant 0 : i32
    %dma_wait3A_422 = tpu.memref_slice %arg5[%dma_wait3A_420, %dma_wait3A_421] : memref<128x768xf32, #tpu.memory_space<vmem>> -> memref<64x768xf32, #tpu.memory_space<vmem>>
    tpu.wait_dma2 semaphore(%arg9 : memref<!tpu.dma_semaphore, #tpu.memory_space<semaphore_mem>>) src(%dma_wait3A_422 : memref<64x768xf32, #tpu.memory_space<vmem>>) dst(%dma_wait3A_419 : memref<64x768xf32, #tpu.memory_space<hbm>>)
    %dma_wait3A_423 = arith.constant 2 : i32
    %dma_wait3A_424 = arith.constant 64 : i32
    %dma_wait3A_425 = arith.constant 0 : i32
    %dma_wait3A_426 = tpu.memref_slice %arg5[%dma_wait3A_424, %dma_wait3A_425] : memref<128x768xf32, #tpu.memory_space<vmem>> -> memref<64x768xf32, #tpu.memory_space<vmem>>
    %dma_wait3A_427 = arith.constant 0 : i32
    %dma_wait3A_428 = tpu.memref_slice %arg4[%dma_wait3A_423, %add3A_184, %dma_wait3A_427] : memref<4x4096x768xf32, #tpu.memory_space<hbm>> -> memref<1x64x768xf32, #tpu.memory_space<hbm>>
    %dma_wait3A_429 = tpu.memref_squeeze %dma_wait3A_428 : memref<1x64x768xf32, #tpu.memory_space<hbm>> -> memref<64x768xf32, #tpu.memory_space<hbm>>
    %dma_wait3A_430 = arith.constant 0 : i32
    %dma_wait3A_431 = tpu.memref_slice %arg4[%dma_wait3A_423, %add3A_184, %dma_wait3A_430] : memref<4x4096x768xf32, #tpu.memory_space<hbm>> -> memref<1x64x768xf32, #tpu.memory_space<hbm>>
    %dma_wait3A_432 = tpu.memref_squeeze %dma_wait3A_431 : memref<1x64x768xf32, #tpu.memory_space<hbm>> -> memref<64x768xf32, #tpu.memory_space<hbm>>
    %dma_wait3A_433 = arith.constant 64 : i32
    %dma_wait3A_434 = arith.constant 0 : i32
    %dma_wait3A_435 = tpu.memref_slice %arg5[%dma_wait3A_433, %dma_wait3A_434] : memref<128x768xf32, #tpu.memory_space<vmem>> -> memref<64x768xf32, #tpu.memory_space<vmem>>
    tpu.wait_dma2 semaphore(%arg9 : memref<!tpu.dma_semaphore, #tpu.memory_space<semaphore_mem>>) src(%dma_wait3A_435 : memref<64x768xf32, #tpu.memory_space<vmem>>) dst(%dma_wait3A_432 : memref<64x768xf32, #tpu.memory_space<hbm>>)
    %dma_wait3A_436 = arith.constant 3 : i32
    %dma_wait3A_437 = arith.constant 64 : i32
    %dma_wait3A_438 = arith.constant 0 : i32
    %dma_wait3A_439 = tpu.memref_slice %arg5[%dma_wait3A_437, %dma_wait3A_438] : memref<128x768xf32, #tpu.memory_space<vmem>> -> memref<64x768xf32, #tpu.memory_space<vmem>>
    %dma_wait3A_440 = arith.constant 0 : i32
    %dma_wait3A_441 = tpu.memref_slice %arg4[%dma_wait3A_436, %add3A_199, %dma_wait3A_440] : memref<4x4096x768xf32, #tpu.memory_space<hbm>> -> memref<1x64x768xf32, #tpu.memory_space<hbm>>
    %dma_wait3A_442 = tpu.memref_squeeze %dma_wait3A_441 : memref<1x64x768xf32, #tpu.memory_space<hbm>> -> memref<64x768xf32, #tpu.memory_space<hbm>>
    %dma_wait3A_443 = arith.constant 0 : i32
    %dma_wait3A_444 = tpu.memref_slice %arg4[%dma_wait3A_436, %add3A_199, %dma_wait3A_443] : memref<4x4096x768xf32, #tpu.memory_space<hbm>> -> memref<1x64x768xf32, #tpu.memory_space<hbm>>
    %dma_wait3A_445 = tpu.memref_squeeze %dma_wait3A_444 : memref<1x64x768xf32, #tpu.memory_space<hbm>> -> memref<64x768xf32, #tpu.memory_space<hbm>>
    %dma_wait3A_446 = arith.constant 64 : i32
    %dma_wait3A_447 = arith.constant 0 : i32
    %dma_wait3A_448 = tpu.memref_slice %arg5[%dma_wait3A_446, %dma_wait3A_447] : memref<128x768xf32, #tpu.memory_space<vmem>> -> memref<64x768xf32, #tpu.memory_space<vmem>>
    tpu.wait_dma2 semaphore(%arg9 : memref<!tpu.dma_semaphore, #tpu.memory_space<semaphore_mem>>) src(%dma_wait3A_448 : memref<64x768xf32, #tpu.memory_space<vmem>>) dst(%dma_wait3A_445 : memref<64x768xf32, #tpu.memory_space<hbm>>)
    %iota3A = tpu.iota {dimensions = array<i32: 0>} : vector<16xi32>
    %scan3A = arith.constant 0 : i32
    %scan3A_449 = arith.constant 0 : i32
    %scan3A_450 = arith.constant 8 : i32
    %scan3A_451 = arith.addi %scan3A_449, %scan3A_450 : i32
    %scan3A_452 = arith.constant 1 : i32
    %scan3A_453 = scf.for %scan3A_476 = %scan3A_449 to %scan3A_451 step %scan3A_452 iter_args(%scan3A_477 = %scan3A) -> (i32)  : i32 {
      %mul3A_478 = arith.constant 16 : i32
      %mul3A_479 = arith.muli %scan3A_476, %mul3A_478 : i32
      %add3A_480 = arith.constant 0 : i32
      %add3A_481 = arith.addi %add3A_480, %mul3A_479 : i32
      %get3A = arith.index_cast %add3A_481 : i32 to index
      %get3A_482 = tpu.vector_load %arg6[%get3A] {strides = array<i32>} : memref<512xi32, #tpu.memory_space<vmem>>, vector<16xi32>,
      %eq3A = arith.constant 0 : i32
      %eq3A_483 = vector.broadcast %eq3A : i32 to vector<16xi32>
      %eq3A_484 = arith.cmpi eq, %get3A_482, %eq3A_483 : vector<16xi32>
      %all_reduce_population_count3A = tpu.all_reduce %eq3A_484 {dim = 0 : i64, kind = #tpu.reduction_kind<sum>} : vector<16xi1> -> vector<16xi32>
      %slice3A = vector.extract_strided_slice %all_reduce_population_count3A {offsets = [0], sizes = [1], strides = [1]} : vector<16xi32> to vector<1xi32>
      %squeeze3A = vector.extract %slice3A[0] : i32 from vector<1xi32>
      %gt3A = arith.constant 0 : i32
      %gt3A_485 = arith.cmpi sgt, %squeeze3A, %gt3A : i32
      %convert_element_type3A = arith.extui %gt3A_485 : i1 to i32
      %cond3A = arith.constant 0 : i32
      %cond3A_486 = arith.cmpi ne, %convert_element_type3A, %cond3A : i32
      scf.if %cond3A_486 {
        %scan3A_488 = arith.constant 0 : i32
        %scan3A_489 = arith.constant 0 : i32
        %scan3A_490 = arith.constant 16 : i32
        %scan3A_491 = arith.addi %scan3A_489, %scan3A_490 : i32
        %scan3A_492 = arith.constant 1 : i32
        %scan3A_493 = scf.for %scan3A_495 = %scan3A_489 to %scan3A_491 step %scan3A_492 iter_args(%scan3A_496 = %scan3A_488) -> (i32)  : i32 {
          %eq3A_497 = vector.broadcast %scan3A_495 : i32 to vector<16xi32>
          %eq3A_498 = arith.cmpi eq, %iota3A, %eq3A_497 : vector<16xi32>
          %and3A = arith.andi %eq3A_484, %eq3A_498 : vector<16xi1>
          %all_reduce_population_count3A_499 = tpu.all_reduce %and3A {dim = 0 : i64, kind = #tpu.reduction_kind<sum>} : vector<16xi1> -> vector<16xi32>
          %slice3A_500 = vector.extract_strided_slice %all_reduce_population_count3A_499 {offsets = [0], sizes = [1], strides = [1]} : vector<16xi32> to vector<1xi32>
          %squeeze3A_501 = vector.extract %slice3A_500[0] : i32 from vector<1xi32>
          %gt3A_502 = arith.constant 0 : i32
          %gt3A_503 = arith.cmpi sgt, %squeeze3A_501, %gt3A_502 : i32
          %convert_element_type3A_504 = arith.extui %gt3A_503 : i1 to i32
          %cond3A_505 = arith.constant 0 : i32
          %cond3A_506 = arith.cmpi ne, %convert_element_type3A_504, %cond3A_505 : i32
          scf.if %cond3A_506 {
            %mul3A_508 = arith.constant 16 : i32
            %mul3A_509 = arith.muli %scan3A_476, %mul3A_508 : i32
            %add3A_510 = arith.addi %mul3A_2, %mul3A_509 : i32
            %add3A_511 = arith.addi %add3A_510, %scan3A_495 : i32
            %run_scoped3A = arith.constant 0 : i32
            "tpu.region"() ({
              %run_scoped3A_512 = tpu.sem_alloc : memref<!tpu.dma_semaphore, #tpu.memory_space<semaphore_mem>>
              %dma_start3A_513 = arith.constant 0 : i32
              %dma_start3A_514 = tpu.memref_slice %arg4[%run_scoped3A, %add3A_511, %dma_start3A_513] : memref<4x4096x768xf32, #tpu.memory_space<hbm>> -> memref<1x1x768xf32, #tpu.memory_space<hbm>>
              %dma_start3A_515 = tpu.memref_squeeze %dma_start3A_514 : memref<1x1x768xf32, #tpu.memory_space<hbm>> -> memref<768xf32, #tpu.memory_space<hbm>>
              %dma_start3A_516 = arith.constant 0 : i32
              %dma_start3A_517 = tpu.memref_slice %arg4[%run_scoped3A, %add3A_511, %dma_start3A_516] : memref<4x4096x768xf32, #tpu.memory_space<hbm>> -> memref<1x1x768xf32, #tpu.memory_space<hbm>>
              %dma_start3A_518 = tpu.memref_squeeze %dma_start3A_517 : memref<1x1x768xf32, #tpu.memory_space<hbm>> -> memref<768xf32, #tpu.memory_space<hbm>>
              tpu.enqueue_dma source(%arg7 : memref<768xf32, #tpu.memory_space<vmem>>) target(%dma_start3A_518 : memref<768xf32, #tpu.memory_space<hbm>>) target_semaphore(%run_scoped3A_512 : memref<!tpu.dma_semaphore, #tpu.memory_space<semaphore_mem>>)
              %dma_wait3A_519 = arith.constant 0 : i32
              %dma_wait3A_520 = tpu.memref_slice %arg4[%run_scoped3A, %add3A_511, %dma_wait3A_519] : memref<4x4096x768xf32, #tpu.memory_space<hbm>> -> memref<1x1x768xf32, #tpu.memory_space<hbm>>
              %dma_wait3A_521 = tpu.memref_squeeze %dma_wait3A_520 : memref<1x1x768xf32, #tpu.memory_space<hbm>> -> memref<768xf32, #tpu.memory_space<hbm>>
              %dma_wait3A_522 = arith.constant 0 : i32
              %dma_wait3A_523 = tpu.memref_slice %arg4[%run_scoped3A, %add3A_511, %dma_wait3A_522] : memref<4x4096x768xf32, #tpu.memory_space<hbm>> -> memref<1x1x768xf32, #tpu.memory_space<hbm>>
              %dma_wait3A_524 = tpu.memref_squeeze %dma_wait3A_523 : memref<1x1x768xf32, #tpu.memory_space<hbm>> -> memref<768xf32, #tpu.memory_space<hbm>>
              tpu.wait_dma2 semaphore(%run_scoped3A_512 : memref<!tpu.dma_semaphore, #tpu.memory_space<semaphore_mem>>) src(%arg7 : memref<768xf32, #tpu.memory_space<vmem>>) dst(%dma_wait3A_524 : memref<768xf32, #tpu.memory_space<hbm>>)
              tpu.yield
            }) : () -> ()
          } else {
          }
          %scan3A_507 = arith.constant 0 : i32
          scf.yield %scan3A_507 : i32
        }
        %scan3A_494 = arith.constant 16 : i32
      } else {
      }
      %scan3A_487 = arith.constant 0 : i32
      scf.yield %scan3A_487 : i32
    }
    %scan3A_454 = arith.constant 8 : i32
    %scan3A_455 = arith.constant 0 : i32
    %scan3A_456 = arith.constant 0 : i32
    %scan3A_457 = arith.constant 8 : i32
    %scan3A_458 = arith.addi %scan3A_456, %scan3A_457 : i32
    %scan3A_459 = arith.constant 1 : i32
    %scan3A_460 = scf.for %scan3A_476 = %scan3A_456 to %scan3A_458 step %scan3A_459 iter_args(%scan3A_477 = %scan3A_455) -> (i32)  : i32 {
      %mul3A_478 = arith.constant 16 : i32
      %mul3A_479 = arith.muli %scan3A_476, %mul3A_478 : i32
      %add3A_480 = arith.constant 128 : i32
      %add3A_481 = arith.addi %add3A_480, %mul3A_479 : i32
      %get3A = arith.index_cast %add3A_481 : i32 to index
      %get3A_482 = tpu.vector_load %arg6[%get3A] {strides = array<i32>} : memref<512xi32, #tpu.memory_space<vmem>>, vector<16xi32>,
      %eq3A = arith.constant 0 : i32
      %eq3A_483 = vector.broadcast %eq3A : i32 to vector<16xi32>
      %eq3A_484 = arith.cmpi eq, %get3A_482, %eq3A_483 : vector<16xi32>
      %all_reduce_population_count3A = tpu.all_reduce %eq3A_484 {dim = 0 : i64, kind = #tpu.reduction_kind<sum>} : vector<16xi1> -> vector<16xi32>
      %slice3A = vector.extract_strided_slice %all_reduce_population_count3A {offsets = [0], sizes = [1], strides = [1]} : vector<16xi32> to vector<1xi32>
      %squeeze3A = vector.extract %slice3A[0] : i32 from vector<1xi32>
      %gt3A = arith.constant 0 : i32
      %gt3A_485 = arith.cmpi sgt, %squeeze3A, %gt3A : i32
      %convert_element_type3A = arith.extui %gt3A_485 : i1 to i32
      %cond3A = arith.constant 0 : i32
      %cond3A_486 = arith.cmpi ne, %convert_element_type3A, %cond3A : i32
      scf.if %cond3A_486 {
        %scan3A_488 = arith.constant 0 : i32
        %scan3A_489 = arith.constant 0 : i32
        %scan3A_490 = arith.constant 16 : i32
        %scan3A_491 = arith.addi %scan3A_489, %scan3A_490 : i32
        %scan3A_492 = arith.constant 1 : i32
        %scan3A_493 = scf.for %scan3A_495 = %scan3A_489 to %scan3A_491 step %scan3A_492 iter_args(%scan3A_496 = %scan3A_488) -> (i32)  : i32 {
          %eq3A_497 = vector.broadcast %scan3A_495 : i32 to vector<16xi32>
          %eq3A_498 = arith.cmpi eq, %iota3A, %eq3A_497 : vector<16xi32>
          %and3A = arith.andi %eq3A_484, %eq3A_498 : vector<16xi1>
          %all_reduce_population_count3A_499 = tpu.all_reduce %and3A {dim = 0 : i64, kind = #tpu.reduction_kind<sum>} : vector<16xi1> -> vector<16xi32>
          %slice3A_500 = vector.extract_strided_slice %all_reduce_population_count3A_499 {offsets = [0], sizes = [1], strides = [1]} : vector<16xi32> to vector<1xi32>
          %squeeze3A_501 = vector.extract %slice3A_500[0] : i32 from vector<1xi32>
          %gt3A_502 = arith.constant 0 : i32
          %gt3A_503 = arith.cmpi sgt, %squeeze3A_501, %gt3A_502 : i32
          %convert_element_type3A_504 = arith.extui %gt3A_503 : i1 to i32
          %cond3A_505 = arith.constant 0 : i32
          %cond3A_506 = arith.cmpi ne, %convert_element_type3A_504, %cond3A_505 : i32
          scf.if %cond3A_506 {
            %mul3A_508 = arith.constant 16 : i32
            %mul3A_509 = arith.muli %scan3A_476, %mul3A_508 : i32
            %add3A_510 = arith.addi %mul3A_2, %mul3A_509 : i32
            %add3A_511 = arith.addi %add3A_510, %scan3A_495 : i32
            %run_scoped3A = arith.constant 1 : i32
            "tpu.region"() ({
              %run_scoped3A_512 = tpu.sem_alloc : memref<!tpu.dma_semaphore, #tpu.memory_space<semaphore_mem>>
              %dma_start3A_513 = arith.constant 0 : i32
              %dma_start3A_514 = tpu.memref_slice %arg4[%run_scoped3A, %add3A_511, %dma_start3A_513] : memref<4x4096x768xf32, #tpu.memory_space<hbm>> -> memref<1x1x768xf32, #tpu.memory_space<hbm>>
              %dma_start3A_515 = tpu.memref_squeeze %dma_start3A_514 : memref<1x1x768xf32, #tpu.memory_space<hbm>> -> memref<768xf32, #tpu.memory_space<hbm>>
              %dma_start3A_516 = arith.constant 0 : i32
              %dma_start3A_517 = tpu.memref_slice %arg4[%run_scoped3A, %add3A_511, %dma_start3A_516] : memref<4x4096x768xf32, #tpu.memory_space<hbm>> -> memref<1x1x768xf32, #tpu.memory_space<hbm>>
              %dma_start3A_518 = tpu.memref_squeeze %dma_start3A_517 : memref<1x1x768xf32, #tpu.memory_space<hbm>> -> memref<768xf32, #tpu.memory_space<hbm>>
              tpu.enqueue_dma source(%arg7 : memref<768xf32, #tpu.memory_space<vmem>>) target(%dma_start3A_518 : memref<768xf32, #tpu.memory_space<hbm>>) target_semaphore(%run_scoped3A_512 : memref<!tpu.dma_semaphore, #tpu.memory_space<semaphore_mem>>)
              %dma_wait3A_519 = arith.constant 0 : i32
              %dma_wait3A_520 = tpu.memref_slice %arg4[%run_scoped3A, %add3A_511, %dma_wait3A_519] : memref<4x4096x768xf32, #tpu.memory_space<hbm>> -> memref<1x1x768xf32, #tpu.memory_space<hbm>>
              %dma_wait3A_521 = tpu.memref_squeeze %dma_wait3A_520 : memref<1x1x768xf32, #tpu.memory_space<hbm>> -> memref<768xf32, #tpu.memory_space<hbm>>
              %dma_wait3A_522 = arith.constant 0 : i32
              %dma_wait3A_523 = tpu.memref_slice %arg4[%run_scoped3A, %add3A_511, %dma_wait3A_522] : memref<4x4096x768xf32, #tpu.memory_space<hbm>> -> memref<1x1x768xf32, #tpu.memory_space<hbm>>
              %dma_wait3A_524 = tpu.memref_squeeze %dma_wait3A_523 : memref<1x1x768xf32, #tpu.memory_space<hbm>> -> memref<768xf32, #tpu.memory_space<hbm>>
              tpu.wait_dma2 semaphore(%run_scoped3A_512 : memref<!tpu.dma_semaphore, #tpu.memory_space<semaphore_mem>>) src(%arg7 : memref<768xf32, #tpu.memory_space<vmem>>) dst(%dma_wait3A_524 : memref<768xf32, #tpu.memory_space<hbm>>)
              tpu.yield
            }) : () -> ()
          } else {
          }
          %scan3A_507 = arith.constant 0 : i32
          scf.yield %scan3A_507 : i32
        }
        %scan3A_494 = arith.constant 16 : i32
      } else {
      }
      %scan3A_487 = arith.constant 0 : i32
      scf.yield %scan3A_487 : i32
    }
    %scan3A_461 = arith.constant 8 : i32
    %scan3A_462 = arith.constant 0 : i32
    %scan3A_463 = arith.constant 0 : i32
    %scan3A_464 = arith.constant 8 : i32
    %scan3A_465 = arith.addi %scan3A_463, %scan3A_464 : i32
    %scan3A_466 = arith.constant 1 : i32
    %scan3A_467 = scf.for %scan3A_476 = %scan3A_463 to %scan3A_465 step %scan3A_466 iter_args(%scan3A_477 = %scan3A_462) -> (i32)  : i32 {
      %mul3A_478 = arith.constant 16 : i32
      %mul3A_479 = arith.muli %scan3A_476, %mul3A_478 : i32
      %add3A_480 = arith.constant 256 : i32
      %add3A_481 = arith.addi %add3A_480, %mul3A_479 : i32
      %get3A = arith.index_cast %add3A_481 : i32 to index
      %get3A_482 = tpu.vector_load %arg6[%get3A] {strides = array<i32>} : memref<512xi32, #tpu.memory_space<vmem>>, vector<16xi32>,
      %eq3A = arith.constant 0 : i32
      %eq3A_483 = vector.broadcast %eq3A : i32 to vector<16xi32>
      %eq3A_484 = arith.cmpi eq, %get3A_482, %eq3A_483 : vector<16xi32>
      %all_reduce_population_count3A = tpu.all_reduce %eq3A_484 {dim = 0 : i64, kind = #tpu.reduction_kind<sum>} : vector<16xi1> -> vector<16xi32>
      %slice3A = vector.extract_strided_slice %all_reduce_population_count3A {offsets = [0], sizes = [1], strides = [1]} : vector<16xi32> to vector<1xi32>
      %squeeze3A = vector.extract %slice3A[0] : i32 from vector<1xi32>
      %gt3A = arith.constant 0 : i32
      %gt3A_485 = arith.cmpi sgt, %squeeze3A, %gt3A : i32
      %convert_element_type3A = arith.extui %gt3A_485 : i1 to i32
      %cond3A = arith.constant 0 : i32
      %cond3A_486 = arith.cmpi ne, %convert_element_type3A, %cond3A : i32
      scf.if %cond3A_486 {
        %scan3A_488 = arith.constant 0 : i32
        %scan3A_489 = arith.constant 0 : i32
        %scan3A_490 = arith.constant 16 : i32
        %scan3A_491 = arith.addi %scan3A_489, %scan3A_490 : i32
        %scan3A_492 = arith.constant 1 : i32
        %scan3A_493 = scf.for %scan3A_495 = %scan3A_489 to %scan3A_491 step %scan3A_492 iter_args(%scan3A_496 = %scan3A_488) -> (i32)  : i32 {
          %eq3A_497 = vector.broadcast %scan3A_495 : i32 to vector<16xi32>
          %eq3A_498 = arith.cmpi eq, %iota3A, %eq3A_497 : vector<16xi32>
          %and3A = arith.andi %eq3A_484, %eq3A_498 : vector<16xi1>
          %all_reduce_population_count3A_499 = tpu.all_reduce %and3A {dim = 0 : i64, kind = #tpu.reduction_kind<sum>} : vector<16xi1> -> vector<16xi32>
          %slice3A_500 = vector.extract_strided_slice %all_reduce_population_count3A_499 {offsets = [0], sizes = [1], strides = [1]} : vector<16xi32> to vector<1xi32>
          %squeeze3A_501 = vector.extract %slice3A_500[0] : i32 from vector<1xi32>
          %gt3A_502 = arith.constant 0 : i32
          %gt3A_503 = arith.cmpi sgt, %squeeze3A_501, %gt3A_502 : i32
          %convert_element_type3A_504 = arith.extui %gt3A_503 : i1 to i32
          %cond3A_505 = arith.constant 0 : i32
          %cond3A_506 = arith.cmpi ne, %convert_element_type3A_504, %cond3A_505 : i32
          scf.if %cond3A_506 {
            %mul3A_508 = arith.constant 16 : i32
            %mul3A_509 = arith.muli %scan3A_476, %mul3A_508 : i32
            %add3A_510 = arith.addi %mul3A_2, %mul3A_509 : i32
            %add3A_511 = arith.addi %add3A_510, %scan3A_495 : i32
            %run_scoped3A = arith.constant 2 : i32
            "tpu.region"() ({
              %run_scoped3A_512 = tpu.sem_alloc : memref<!tpu.dma_semaphore, #tpu.memory_space<semaphore_mem>>
              %dma_start3A_513 = arith.constant 0 : i32
              %dma_start3A_514 = tpu.memref_slice %arg4[%run_scoped3A, %add3A_511, %dma_start3A_513] : memref<4x4096x768xf32, #tpu.memory_space<hbm>> -> memref<1x1x768xf32, #tpu.memory_space<hbm>>
              %dma_start3A_515 = tpu.memref_squeeze %dma_start3A_514 : memref<1x1x768xf32, #tpu.memory_space<hbm>> -> memref<768xf32, #tpu.memory_space<hbm>>
              %dma_start3A_516 = arith.constant 0 : i32
              %dma_start3A_517 = tpu.memref_slice %arg4[%run_scoped3A, %add3A_511, %dma_start3A_516] : memref<4x4096x768xf32, #tpu.memory_space<hbm>> -> memref<1x1x768xf32, #tpu.memory_space<hbm>>
              %dma_start3A_518 = tpu.memref_squeeze %dma_start3A_517 : memref<1x1x768xf32, #tpu.memory_space<hbm>> -> memref<768xf32, #tpu.memory_space<hbm>>
              tpu.enqueue_dma source(%arg7 : memref<768xf32, #tpu.memory_space<vmem>>) target(%dma_start3A_518 : memref<768xf32, #tpu.memory_space<hbm>>) target_semaphore(%run_scoped3A_512 : memref<!tpu.dma_semaphore, #tpu.memory_space<semaphore_mem>>)
              %dma_wait3A_519 = arith.constant 0 : i32
              %dma_wait3A_520 = tpu.memref_slice %arg4[%run_scoped3A, %add3A_511, %dma_wait3A_519] : memref<4x4096x768xf32, #tpu.memory_space<hbm>> -> memref<1x1x768xf32, #tpu.memory_space<hbm>>
              %dma_wait3A_521 = tpu.memref_squeeze %dma_wait3A_520 : memref<1x1x768xf32, #tpu.memory_space<hbm>> -> memref<768xf32, #tpu.memory_space<hbm>>
              %dma_wait3A_522 = arith.constant 0 : i32
              %dma_wait3A_523 = tpu.memref_slice %arg4[%run_scoped3A, %add3A_511, %dma_wait3A_522] : memref<4x4096x768xf32, #tpu.memory_space<hbm>> -> memref<1x1x768xf32, #tpu.memory_space<hbm>>
              %dma_wait3A_524 = tpu.memref_squeeze %dma_wait3A_523 : memref<1x1x768xf32, #tpu.memory_space<hbm>> -> memref<768xf32, #tpu.memory_space<hbm>>
              tpu.wait_dma2 semaphore(%run_scoped3A_512 : memref<!tpu.dma_semaphore, #tpu.memory_space<semaphore_mem>>) src(%arg7 : memref<768xf32, #tpu.memory_space<vmem>>) dst(%dma_wait3A_524 : memref<768xf32, #tpu.memory_space<hbm>>)
              tpu.yield
            }) : () -> ()
          } else {
          }
          %scan3A_507 = arith.constant 0 : i32
          scf.yield %scan3A_507 : i32
        }
        %scan3A_494 = arith.constant 16 : i32
      } else {
      }
      %scan3A_487 = arith.constant 0 : i32
      scf.yield %scan3A_487 : i32
    }
    %scan3A_468 = arith.constant 8 : i32
    %scan3A_469 = arith.constant 0 : i32
    %scan3A_470 = arith.constant 0 : i32
    %scan3A_471 = arith.constant 8 : i32
    %scan3A_472 = arith.addi %scan3A_470, %scan3A_471 : i32
    %scan3A_473 = arith.constant 1 : i32
    %scan3A_474 = scf.for %scan3A_476 = %scan3A_470 to %scan3A_472 step %scan3A_473 iter_args(%scan3A_477 = %scan3A_469) -> (i32)  : i32 {
      %mul3A_478 = arith.constant 16 : i32
      %mul3A_479 = arith.muli %scan3A_476, %mul3A_478 : i32
      %add3A_480 = arith.constant 384 : i32
      %add3A_481 = arith.addi %add3A_480, %mul3A_479 : i32
      %get3A = arith.index_cast %add3A_481 : i32 to index
      %get3A_482 = tpu.vector_load %arg6[%get3A] {strides = array<i32>} : memref<512xi32, #tpu.memory_space<vmem>>, vector<16xi32>,
      %eq3A = arith.constant 0 : i32
      %eq3A_483 = vector.broadcast %eq3A : i32 to vector<16xi32>
      %eq3A_484 = arith.cmpi eq, %get3A_482, %eq3A_483 : vector<16xi32>
      %all_reduce_population_count3A = tpu.all_reduce %eq3A_484 {dim = 0 : i64, kind = #tpu.reduction_kind<sum>} : vector<16xi1> -> vector<16xi32>
      %slice3A = vector.extract_strided_slice %all_reduce_population_count3A {offsets = [0], sizes = [1], strides = [1]} : vector<16xi32> to vector<1xi32>
      %squeeze3A = vector.extract %slice3A[0] : i32 from vector<1xi32>
      %gt3A = arith.constant 0 : i32
      %gt3A_485 = arith.cmpi sgt, %squeeze3A, %gt3A : i32
      %convert_element_type3A = arith.extui %gt3A_485 : i1 to i32
      %cond3A = arith.constant 0 : i32
      %cond3A_486 = arith.cmpi ne, %convert_element_type3A, %cond3A : i32
      scf.if %cond3A_486 {
        %scan3A_488 = arith.constant 0 : i32
        %scan3A_489 = arith.constant 0 : i32
        %scan3A_490 = arith.constant 16 : i32
        %scan3A_491 = arith.addi %scan3A_489, %scan3A_490 : i32
        %scan3A_492 = arith.constant 1 : i32
        %scan3A_493 = scf.for %scan3A_495 = %scan3A_489 to %scan3A_491 step %scan3A_492 iter_args(%scan3A_496 = %scan3A_488) -> (i32)  : i32 {
          %eq3A_497 = vector.broadcast %scan3A_495 : i32 to vector<16xi32>
          %eq3A_498 = arith.cmpi eq, %iota3A, %eq3A_497 : vector<16xi32>
          %and3A = arith.andi %eq3A_484, %eq3A_498 : vector<16xi1>
          %all_reduce_population_count3A_499 = tpu.all_reduce %and3A {dim = 0 : i64, kind = #tpu.reduction_kind<sum>} : vector<16xi1> -> vector<16xi32>
          %slice3A_500 = vector.extract_strided_slice %all_reduce_population_count3A_499 {offsets = [0], sizes = [1], strides = [1]} : vector<16xi32> to vector<1xi32>
          %squeeze3A_501 = vector.extract %slice3A_500[0] : i32 from vector<1xi32>
          %gt3A_502 = arith.constant 0 : i32
          %gt3A_503 = arith.cmpi sgt, %squeeze3A_501, %gt3A_502 : i32
          %convert_element_type3A_504 = arith.extui %gt3A_503 : i1 to i32
          %cond3A_505 = arith.constant 0 : i32
          %cond3A_506 = arith.cmpi ne, %convert_element_type3A_504, %cond3A_505 : i32
          scf.if %cond3A_506 {
            %mul3A_508 = arith.constant 16 : i32
            %mul3A_509 = arith.muli %scan3A_476, %mul3A_508 : i32
            %add3A_510 = arith.addi %mul3A_2, %mul3A_509 : i32
            %add3A_511 = arith.addi %add3A_510, %scan3A_495 : i32
            %run_scoped3A = arith.constant 3 : i32
            "tpu.region"() ({
              %run_scoped3A_512 = tpu.sem_alloc : memref<!tpu.dma_semaphore, #tpu.memory_space<semaphore_mem>>
              %dma_start3A_513 = arith.constant 0 : i32
              %dma_start3A_514 = tpu.memref_slice %arg4[%run_scoped3A, %add3A_511, %dma_start3A_513] : memref<4x4096x768xf32, #tpu.memory_space<hbm>> -> memref<1x1x768xf32, #tpu.memory_space<hbm>>
              %dma_start3A_515 = tpu.memref_squeeze %dma_start3A_514 : memref<1x1x768xf32, #tpu.memory_space<hbm>> -> memref<768xf32, #tpu.memory_space<hbm>>
              %dma_start3A_516 = arith.constant 0 : i32
              %dma_start3A_517 = tpu.memref_slice %arg4[%run_scoped3A, %add3A_511, %dma_start3A_516] : memref<4x4096x768xf32, #tpu.memory_space<hbm>> -> memref<1x1x768xf32, #tpu.memory_space<hbm>>
              %dma_start3A_518 = tpu.memref_squeeze %dma_start3A_517 : memref<1x1x768xf32, #tpu.memory_space<hbm>> -> memref<768xf32, #tpu.memory_space<hbm>>
              tpu.enqueue_dma source(%arg7 : memref<768xf32, #tpu.memory_space<vmem>>) target(%dma_start3A_518 : memref<768xf32, #tpu.memory_space<hbm>>) target_semaphore(%run_scoped3A_512 : memref<!tpu.dma_semaphore, #tpu.memory_space<semaphore_mem>>)
              %dma_wait3A_519 = arith.constant 0 : i32
              %dma_wait3A_520 = tpu.memref_slice %arg4[%run_scoped3A, %add3A_511, %dma_wait3A_519] : memref<4x4096x768xf32, #tpu.memory_space<hbm>> -> memref<1x1x768xf32, #tpu.memory_space<hbm>>
              %dma_wait3A_521 = tpu.memref_squeeze %dma_wait3A_520 : memref<1x1x768xf32, #tpu.memory_space<hbm>> -> memref<768xf32, #tpu.memory_space<hbm>>
              %dma_wait3A_522 = arith.constant 0 : i32
              %dma_wait3A_523 = tpu.memref_slice %arg4[%run_scoped3A, %add3A_511, %dma_wait3A_522] : memref<4x4096x768xf32, #tpu.memory_space<hbm>> -> memref<1x1x768xf32, #tpu.memory_space<hbm>>
              %dma_wait3A_524 = tpu.memref_squeeze %dma_wait3A_523 : memref<1x1x768xf32, #tpu.memory_space<hbm>> -> memref<768xf32, #tpu.memory_space<hbm>>
              tpu.wait_dma2 semaphore(%run_scoped3A_512 : memref<!tpu.dma_semaphore, #tpu.memory_space<semaphore_mem>>) src(%arg7 : memref<768xf32, #tpu.memory_space<vmem>>) dst(%dma_wait3A_524 : memref<768xf32, #tpu.memory_space<hbm>>)
              tpu.yield
            }) : () -> ()
          } else {
          }
          %scan3A_507 = arith.constant 0 : i32
          scf.yield %scan3A_507 : i32
        }
        %scan3A_494 = arith.constant 16 : i32
      } else {
      }
      %scan3A_487 = arith.constant 0 : i32
      scf.yield %scan3A_487 : i32
    }
    %scan3A_475 = arith.constant 8 : i32
    return
  }
}

</mosaic_0001>

<sc_bundles>
// kernel: kernel.3.cloned.1.call-start
scs
__scs_entry_jumppad:
0x0: {  	(pc) =	sbr.rel $0x88, $3  }
0x1: {  	(tag) =	ssettag $0x0;
	lr =	simm.s32 $0x1  }
0x2: {  	[smem:$0x3F9F] =	sst lr;
	_ =	strace $0xD0000000  }
0x3: {  	_ = 	snop  }
0x4: {  	_ = 	snop  }
0x5: {  	_ = 	snop  }
0x6: {  	_ = 	snop  }
0x7: {  	_ = 	snop  }
__scs_overlays_trampoline_lowered:
0x8: {  	[smem:$0x3FAE] =	sst s0  }
0x9: {  	[smem:$0x3FAF] =	sst s1  }
0xa: {  	[smem:$0x3FB0] =	sst s2  }
0xb: {  	[smem:$0x3FB1] =	sst s3  }
0xc: {  	[smem:$0x3FB2] =	sst s4  }
0xd: {  	[smem:$0x3FB3] =	sst s5  }
0xe: {  	[smem:$0x3FB4] =	sst s6  }
0xf: {  	[smem:$0x3FB5] =	sst s7  }
0x10: {  	[smem:$0x3FB6] =	sst s8  }
0x11: {  	[smem:$0x3FB7] =	sst s9;
	s0 =	simm.s32 @!p0 $0x0  }
0x12: {  	s1 =	sld [smem:$0x3F9D];
	s0 =	simm.s32 @p0 $0x1  }
0x13: {  	[smem:$0x3FB8] =	sst s0;
	s0 =	simm.s32 @!p1 $0x0  }
0x14: {  	s2 =	sld [smem:$0x3F9C];
	s0 =	simm.s32 @p1 $0x1  }
0x15: {  	[smem:$0x3FB9] =	sst s0;
	s0 =	simm.s32 @!p2 $0x0  }
0x16: {  	s3 =	sld [smem:$0x3FDB];
	s0 =	simm.s32 @p2 $0x1  }
0x17: {  	s4 =	simm.s32 $0x1BF5;
	[smem:$0x3FBB] =	sst s0  }
0x18: {  	s0 =	sld [smem:$0x3F9E];
	_ =	swait.ge [sflag:s4], $0x0  }
0x19: {  	s7 =	sld [smem:$0x3F9F]  }
0x1a: {  	s8 =	sadd.s32 $0xFFFFE003, lr  }
0x1b: {  	s9 =	sadd.s32 $0xFFFFFEF7, lr;
	s5 =	simm.s32 $0xFFFFFFFF;
	p2 =	slt.u32 s8, $0xFFFFF086  }
0x1c: {  	p1 =	slt.u32 s9, $0xF7A;
	s5 =	simm.s32 @!p2 $0x0  }
0x1d: {  	s5 =	simm.s32 @p1 $0x1;
	p0 =	seq.s32 s7, s2  }
0x1e: {  	s7 =	smul.u32 @!p0 $0xF7A, s2;
	p2 =	seq.s32 @!p0 s5, $0x0  }
0x1f: {  	s9 =	smul.u32 $0xF7A, s1;
	s8 =	simm.s32 @!p0 $0x1BF5;
	p2 =	por !p2, p0  }
0x20: {  	[sflag:s8] =	ssyncset.s32 @!p0 $0xFFFFF086;
	s6 =	sadd.s32 @!p0 s3, s7;
	s7 =	simm.s32 @!p0 $0x108  }
0x21: {  	s3 =	sadd.s32 s3, s9;
	s6 =	sadd.s32 @!p0 $0x88, s6;
	s7 =	simm.s32 @p2 $0x1082  }
0x22: {  	[simem:s7], [sflag:s8] =	dma.local @!p0 [hbm:s6], $0xF7A  }
0x23: {  	s9 =	sor.u32 $0xD0000000, s2;
	s6 =	simm.s32 $0x108;
	_ =	swait.ge @!p0 [sflag:s8], $0x0  }
0x24: {  	s3 =	sadd.s32 $0x88, s3;
	s6 =	simm.s32 @!p1 $0x1082;
	[sflag:s4] =	ssyncset.s32 $0xFFFFF086  }
0x25: {  	[simem:s6], [sflag:s4] =	dma.local [hbm:s3], $0xF7A  }
0x26: {  	[smem:$0x3F9F] =	sst s1;
	(tag) =	ssettag s2;
	_ =	strace s9  }
0x27: {  	s1 =	sld [smem:$0x3FAF]  }
0x28: {  	s2 =	sld [smem:$0x3FB0]  }
0x29: {  	s4 =	sld [smem:$0x3FB2]  }
0x2a: {  	p0 =	seq.s32 s5, $0x0;
	s5 =	sld [smem:$0x3FB3]  }
0x2b: {  	s6 =	sld [smem:$0x3FB4]  }
0x2c: {  	s7 =	sld [smem:$0x3FB5]  }
0x2d: {  	s3 =	simm.s32 $0x108;
	s8 =	sld [smem:$0x3FB6]  }
0x2e: {  	s3 =	simm.s32 @!p0 $0x1082;
	s9 =	sld [smem:$0x3FB7]  }
0x2f: {  	lr =	sadd.s32 s0, s3;
	s0 =	sld [smem:$0x3FAE]  }
0x30: {  	s3 =	sld [smem:$0x3FB1]  }
0x31: {  	[smem:$0x3FBA] =	sst s10  }
0x32: {  	s10 =	sld [smem:$0x3FB8];
	_ =	sdelay $0x3  }
0x33: {  	p0 =	seq.s32 s10, $0x1;
	s10 =	sld [smem:$0x3FBA];
	_ =	sdelay $0x3  }
0x34: {  	[smem:$0x3FBA] =	sst s10  }
0x35: {  	s10 =	sld [smem:$0x3FB9];
	_ =	sdelay $0x3  }
0x36: {  	p1 =	seq.s32 s10, $0x1;
	s10 =	sld [smem:$0x3FBA];
	_ =	sdelay $0x3  }
0x37: {  	[smem:$0x3FBA] =	sst s10  }
0x38: {  	s10 =	sld [smem:$0x3FBB]  }
0x39: {  	_ = 	snop;
	(pc) =	sbr.ind lr, $3  }
0x3a: {  	_ = 	snop  }
0x3b: {  	_ = 	snop  }
0x3c: {  	p2 =	seq.s32 s10, $0x1;
	s10 =	sld [smem:$0x3FBA]  }
0x3d: {  	_ =	shalt  }
0x3e: {  	_ =	shalt  }
0x3f: {  	_ =	shalt  }
0x40: {  	_ =	shalt  }
0x41: {  	_ =	shalt  }
0x42: {  	_ =	shalt  }
0x43: {  	_ =	shalt  }
0x44: {  	_ =	shalt  }
0x45: {  	_ =	shalt  }
0x46: {  	_ =	shalt  }
0x47: {  	_ =	shalt  }
0x48: {  	_ =	shalt  }
0x49: {  	_ =	shalt  }
0x4a: {  	_ =	shalt  }
0x4b: {  	_ =	shalt  }
0x4c: {  	_ =	shalt  }
0x4d: {  	_ =	shalt  }
0x4e: {  	_ =	shalt  }
0x4f: {  	_ =	shalt  }
0x50: {  	_ =	shalt  }
0x51: {  	_ =	shalt  }
0x52: {  	_ =	shalt  }
0x53: {  	_ =	shalt  }
0x54: {  	_ =	shalt  }
0x55: {  	_ =	shalt  }
0x56: {  	_ =	shalt  }
0x57: {  	_ =	shalt  }
0x58: {  	_ =	shalt  }
0x59: {  	_ =	shalt  }
0x5a: {  	_ =	shalt  }
0x5b: {  	_ =	shalt  }
0x5c: {  	_ =	shalt  }
0x5d: {  	_ =	shalt  }
0x5e: {  	_ =	shalt  }
0x5f: {  	_ =	shalt  }
0x60: {  	_ =	shalt  }
0x61: {  	_ =	shalt  }
0x62: {  	_ =	shalt  }
0x63: {  	_ =	shalt  }
0x64: {  	_ =	shalt  }
0x65: {  	_ =	shalt  }
0x66: {  	_ =	shalt  }
0x67: {  	_ =	shalt  }
0x68: {  	_ =	shalt  }
0x69: {  	_ =	shalt  }
0x6a: {  	_ =	shalt  }
0x6b: {  	_ =	shalt  }
0x6c: {  	_ =	shalt  }
0x6d: {  	_ =	shalt  }
0x6e: {  	_ =	shalt  }
0x6f: {  	_ =	shalt  }
0x70: {  	_ =	shalt  }
0x71: {  	_ =	shalt  }
0x72: {  	_ =	shalt  }
0x73: {  	_ =	shalt  }
0x74: {  	_ =	shalt  }
0x75: {  	_ =	shalt  }
0x76: {  	_ =	shalt  }
0x77: {  	_ =	shalt  }
0x78: {  	_ =	shalt  }
0x79: {  	_ =	shalt  }
0x7a: {  	_ =	shalt  }
0x7b: {  	_ =	shalt  }
0x7c: {  	_ =	shalt  }
0x7d: {  	_ =	shalt  }
0x7e: {  	_ =	shalt  }
0x7f: {  	_ =	shalt  }
0x80: {  	_ =	shalt  }
0x81: {  	_ =	shalt  }
0x82: {  	_ =	shalt  }
0x83: {  	_ =	shalt  }
0x84: {  	_ =	shalt  }
0x85: {  	_ =	shalt  }
0x86: {  	_ =	shalt  }
0x87: {  	_ =	shalt  }
.Lfunc_end0:
.L_simem_size_0:
called_computation_lowered:
.L_overlay_start_0:
0x88: {  	s2 =	sld [smem:$0x3FD9]  }
0x89: {  	s3 =	sld [smem:$0x3FFE];
	_ =	sdelay $0x1  }
0x8a: {  	s1 =	srdreg.scid  }
0x8b: {  	s0 =	sand.u32 $0x1, s1  }
0x8c: {  	s18 =	sshll.u32 s0, $0xA;
	s2 =	sadd.s32 s3, s2  }
0x8d: {  	s2 =	sadd.s32 s2, s18  }
0x8e: {  	[smem:$0x3FC6] =	sst s2  }
0x8f: {  	_ = 	snop  }
0x90: {  	s2 =	sld [smem:$0x3FC9]  }
0x91: {  	s19 =	sld [smem:$0x3FC8]  }
0x92: {  	s4 =	sld [smem:$0x3FD0];
	(tm) =	ssettm $0x1  }
0x93: {  	s5 =	sld [smem:$0x3FFB];
	_ =	sdelay $0x3  }
0x94: {  	_ =	strace s5  }
0x95: {  	s5 =	sld [smem:$0x3FFC];
	_ =	sdelay $0x3  }
0x96: {  	_ =	strace s5  }
0x97: {  	s5 =	sld [smem:$0x3FFD];
	_ =	sdelay $0x3  }
0x98: {  	_ =	strace s5  }
0x99: {  	_ =	strace $0x8FFFFFFF  }
0x9a: {  	s20 =	sld [smem:$0x3FDB];
	_ =	sdelay $0x1  }
0x9b: {  	s6 =	simm.s32 $_scs_section_size  }
0x9c: {  	s7 =	simm.s32 $_size__tile_overlayer_lowered;
	s8 =	simm.s32 $_tile_overlayer_lowered  }
0x9d: {  	s23 =	simm.s32 $0x1BFF;
	s22 =	sshll.u32 s8, $0x1;
	s5 =	sadd.s32 s6, s20  }
0x9e: {  	s9 =	simm.s32 $0x0;
	s21 =	sshll.u32 s7, $0x1;
	s7 =	sadd.s32 s22, s5  }
0x9f: {  	[timem:s9], [sflag:s23] =	dma.local [hbm:s7], s21  }
0xa0: {  	_ =	swait.ge [sflag:s23], s21  }
0xa1: {  	s6 =	ssub.s32 $0x0, s21;
	[sflag:s23] =	ssyncset.done $0x0  }
0xa2: {  	[sflag:s23] =	ssyncadd.s32 s6;
	_ =	sdelay $0x1  }
0xa3: {  	s24 =	simm.s32 $0x1B8B  }
0xa4: {  	_ =	swait.ge [sflag:s24], $0x1  }
0xa5: {  	[sflag:s24] =	ssyncset.done $0x0  }
0xa6: {  	s25 =	simm.s32 $0x1B8E;
	[sflag:s24] =	ssyncadd.s32 $0xFFFFFFFF  }
0xa7: {  	s26 =	simm.s32 $execute0_lowered;
	[smem:$0x3FD2] =	sst s25  }
0xa8: {  	s6 =	sshll.u32 s26, $0x1;
	_ =	strace $0x80000046;
	[dreg:$0x1] =	wrdreg $0xFFFFFFFF  }
0xa9: {  	s28 =	simm.s32 $_size_execute0_lowered;
	s5 =	sadd.s32 s5, s6;
	[dreg:$0x0] =	wrdreg $0x0  }
0xaa: {  	s6 =	sshll.u32 s28, $0x1;
	[dreg:$0x2] =	wrdreg s5  }
0xab: {  	[dreg:$0x3] =	wrdreg s6  }
0xac: {  	[dreg:$0x4] =	wrdreg $0xC0  }
0xad: {  	_ =	task [dreg:s9], $0x5FFFF  }
0xae: {  	[dreg:$0x1] =	wrdreg $0xFFFFFFFF  }
0xaf: {  	[dreg:$0x0] =	wrdreg $0x60  }
0xb0: {  	[dreg:$0x2] =	wrdreg s2  }
0xb1: {  	[dreg:$0x3] =	wrdreg s19  }
0xb2: {  	[dreg:$0x4] =	wrdreg s4  }
0xb3: {  	[dreg:$0x5] =	wrdreg $0x9  }
0xb4: {  	_ =	task.clear_ibuf [dreg:s9], $0x6FFFF;
	_ =	strace $0x90000046  }
0xb5: {  	s29 =	simm.s32 $0x9;
	_ =	strace $0x80000048  }
0xb6: {  	_ =	swait.ge [sflag:s29], $0x1  }
0xb7: {  	[sflag:s29] =	ssyncadd.s32 $0xFFFFFFFF  }
0xb8: {  	_ =	strace $0x90000048  }
0xb9: {  	_ =	sfence  }
0xba: {  	s30 =	sld [smem:$0x0];
	_ =	sdelay $0x2  }
0xbb: {  	s31 =	sshll.u32 s1, $0xD;
	s1 =	sshrl.u32 s1, $0x2  }
0xbc: {  	s3 =	sand.u32 $0x4000, s31;
	s1 =	sadd.s32 s1, s30  }
0xbd: {  	s0 =	sor.u32 s3, s0;
	s1 =	sshll.u32 s1, $0x11  }
0xbe: {  	s0 =	sor.u32 s1, s0  }
0xbf: {  	s0 =	sadd.s32 $0x8F2B, s0  }
0xc0: {  	[sflag:s0] =	ssyncadd.remote.s32 $0x1  }
0xc1: {  	_ =	sfence.sel $0xFFFF  }
0xc2: {  	[dreg:$0x0] =	wrdreg $0xFFFFFFFF;
	(pc) =	sbr.abs _section_cstart, $3  }
0xc3: {  	[dreg:$0x1] =	wrdreg $0xFFFFFFFF  }
0xc4: {  	_ =	task.clear_ibuf [dreg:s9], $0x2FFFF;
	_ =	strace $0x9FFFFFFF  }
0xc5: {  	(tm) =	ssettm $0x7FFFFFFF  }
tec
execute0_lowered:
.L_overlay_start_1:
0x0: {  	(tag) =	ssettag $0x1  }
0x1: {  	s0 =	rddreg [dreg:$0x0]  }
0x2: {  	s1 =	srdreg.scid;
	s4 =	rddreg [dreg:$0x1]  }
0x3: {  	s3 =	stileid.u32;
	s2 =	rddreg [dreg:$0x2]  }
0x4: {  	s28 =	simm.s32 $0x1;
	s29 =	simm.s32 $0x2;
	s5 =	sand.u32 $0x1, s1  }
0x5: {  	s17 =	sshll.u32 s3, $0x8;
	s3 =	simm.s32 $0x0;
	s6 =	sshll.u32 s5, $0x7  }
0x6: {  	s30 =	simm.s32 $0x0;
	[smem:$0x7FF] =	sst s3;
	s1 =	sor.u32 s6, s17  }
0x7: {  	s7 =	ssub.s32 $0x2, s5;
	_ =	strace $0x80000047;
	s18 =	sshrl.u32 s1, $0x1  }
0x8: {  	s8 =	sshrl.u32 s7, $0x1;
	s6 =	sshrl.u32 s1, $0x3;
	s5 =	sadd.s32 s0, s18  }
0x9: {  	s19 =	ssub.s32 s7, s8;
	s6 =	smul.u32 $0x1800, s6;
	s20 =	sadd.s32 $0x10, s5  }
0xa: {  	s19 =	smax.u32 s19, $0x1;
	s21 =	sadd.s32 $0x20, s5;
	[dreg:$0x4] =	wrdreg s20  }
0xb: {  	s22 =	sadd.s32 $0x30, s5;
	s6 =	sshrl.u32 s6, $0x3;
	[dreg:$0x5] =	wrdreg s21  }
0xc: {  	[dreg:$0x6] =	wrdreg s22;
	s23 =	sadd.s32 $0x1800, s6;
	s24 =	sadd.s32 s4, s6  }
0xd: {  	s11 =	sadd.s32 s2, s6;
	[dreg:$0x7] =	wrdreg s24;
	s4 =	sadd.s32 s4, s23  }
.Ltmp0:
0xe: {  	s25 =	sadd.s32 $0x60000, s11;
	s26 =	sadd.s32 $0xC0000, s11;
	(pc) =	sbr.rel .LBB2_1-.Ltmp0, $4  }
0xf: {  	s31 =	sadd.s32 $0x120000, s11;
	s15 =	sadd.s32 s2, s23;
	[dreg:$0x8] =	wrdreg s4  }
0x10: {  	s16 =	sadd.s32 $0x61800, s11;
	s17 =	sadd.s32 $0xC1800, s11;
	[dreg:$0x9] =	wrdreg s25  }
0x11: {  	s18 =	sadd.s32 $0x121800, s11;
	s24 =	simm.s32 $0xC000;
	[dreg:$0xa] =	wrdreg s26  }
0x12: {  	v0 =	vimm.f32 $0.0e+00;
	v1 =	vlaneseq.u32;
	[dreg:$0xb] =	wrdreg s31;
	s25 =	simm.s32 $0x3;
	s26 =	simm.s32 $0x4  }
.LBB2_25:
0x13: {  	s30 =	sadd.s32 $0x1, s30  }
0x14: {  	p0 =	sne.s32 s30, s19  }
.Ltmp1:
0x15: {  	_ = 	snop;
	(pc) =	sbr.rel @!p0 .LBB2_26-.Ltmp1, $1  }
0x16: {  	_ =	sdelay $0x3  }
.LBB2_1:
0x17: {  	s0 =	simm.s32 $0x18000  }
0x18: {  	[tilespmem:s0], [sflag:$0x1] =	stream.linear.gather [hbm4b:s5+s3], $0x80, $0x38;
	[tilespmem:$0x18500] =	vst v63  }
0x19: {  	s9 =	rddreg [dreg:$0x4];
	s4 =	simm.s32 $0x18080  }
0x1a: {  	[tilespmem:s4], [sflag:$0x1] =	stream.linear.gather [hbm4b:s9+s3], $0x80, $0x38;
	[tilespmem:$0x18500] =	vst v63  }
0x1b: {  	s10 =	rddreg [dreg:$0x5];
	s12 =	simm.s32 $0x18100  }
0x1c: {  	[tilespmem:s12], [sflag:$0x1] =	stream.linear.gather [hbm4b:s10+s3], $0x80, $0x38;
	[tilespmem:$0x18500] =	vst v63  }
0x1d: {  	s13 =	rddreg [dreg:$0x6];
	s14 =	simm.s32 $0x18180  }
0x1e: {  	[tilespmem:s14], [sflag:$0x1] =	stream.linear.gather [hbm4b:s13+s3], $0x80, $0x38;
	[tilespmem:$0x18500] =	vst v63  }
0x1f: {  	s20 =	rddreg [dreg:$0x7]  }
0x20: {  	[tilespmem:s3], [sflag:$0x3] =	stream.linear.gather [hbm4b:s20+s3], $0xC000, $0x38;
	[tilespmem:$0x18500] =	vst v63  }
0x21: {  	s21 =	rddreg [dreg:$0x8]  }
0x22: {  	[tilespmem:s24], [sflag:$0x4] =	stream.linear.gather [hbm4b:s21+s3], $0xC000, $0x38;
	[tilespmem:$0x18500] =	vst v63  }
0x23: {  	_ =	swait.ge [sflag:s25], $0xC000  }
0x24: {  	[sflag:s25] =	ssyncset.done $0x0  }
0x25: {  	[sflag:s25] =	ssyncadd.s32 $0xFFFF4000  }
0x26: {  	[hbm4b:s11+s3] =	stream.linear.scatter [tilespmem:s3], [sflag:$0x2], $0xC000, $0x38;
	[tilespmem:$0x18500] =	vst v63  }
0x27: {  	s22 =	rddreg [dreg:$0x9]  }
0x28: {  	[hbm4b:s22+s3] =	stream.linear.scatter [tilespmem:s3], [sflag:$0x2], $0xC000, $0x38;
	[tilespmem:$0x18500] =	vst v63  }
0x29: {  	s23 =	rddreg [dreg:$0xa]  }
0x2a: {  	[hbm4b:s23+s3] =	stream.linear.scatter [tilespmem:s3], [sflag:$0x2], $0xC000, $0x38;
	[tilespmem:$0x18500] =	vst v63  }
0x2b: {  	s31 =	rddreg [dreg:$0xb]  }
0x2c: {  	[hbm4b:s31+s3] =	stream.linear.scatter [tilespmem:s3], [sflag:$0x2], $0xC000, $0x38;
	[tilespmem:$0x18500] =	vst v63  }
0x2d: {  	_ =	swait.ge [sflag:s26], $0xC000  }
0x2e: {  	[sflag:s26] =	ssyncset.done $0x0  }
0x2f: {  	[sflag:s26] =	ssyncadd.s32 $0xFFFF4000  }
0x30: {  	[hbm4b:s15+s3] =	stream.linear.scatter [tilespmem:s24], [sflag:$0x2], $0xC000, $0x38;
	[tilespmem:$0x18500] =	vst v63  }
0x31: {  	_ = 	snop  }
0x32: {  	[hbm4b:s16+s3] =	stream.linear.scatter [tilespmem:s24], [sflag:$0x2], $0xC000, $0x38;
	[tilespmem:$0x18500] =	vst v63  }
0x33: {  	_ = 	snop  }
0x34: {  	[hbm4b:s17+s3] =	stream.linear.scatter [tilespmem:s24], [sflag:$0x2], $0xC000, $0x38;
	[tilespmem:$0x18500] =	vst v63  }
0x35: {  	_ = 	snop  }
0x36: {  	[hbm4b:s18+s3] =	stream.linear.scatter [tilespmem:s24], [sflag:$0x2], $0xC000, $0x38;
	[tilespmem:$0x18500] =	vst v63  }
0x37: {  	[tilespmem:$0x18200] =	vst v0  }
0x38: {  	[tilespmem:$0x18210] =	vst v0  }
0x39: {  	[tilespmem:$0x18220] =	vst v0  }
0x3a: {  	[tilespmem:$0x18230] =	vst v0  }
0x3b: {  	[tilespmem:$0x18240] =	vst v0  }
0x3c: {  	[tilespmem:$0x18250] =	vst v0  }
0x3d: {  	[tilespmem:$0x18260] =	vst v0  }
0x3e: {  	[tilespmem:$0x18270] =	vst v0  }
0x3f: {  	[tilespmem:$0x18280] =	vst v0  }
0x40: {  	[tilespmem:$0x18290] =	vst v0  }
0x41: {  	[tilespmem:$0x182A0] =	vst v0  }
0x42: {  	[tilespmem:$0x182B0] =	vst v0  }
0x43: {  	[tilespmem:$0x182C0] =	vst v0  }
0x44: {  	[tilespmem:$0x182D0] =	vst v0  }
0x45: {  	[tilespmem:$0x182E0] =	vst v0  }
0x46: {  	[tilespmem:$0x182F0] =	vst v0  }
0x47: {  	[tilespmem:$0x18300] =	vst v0  }
0x48: {  	[tilespmem:$0x18310] =	vst v0  }
0x49: {  	[tilespmem:$0x18320] =	vst v0  }
0x4a: {  	[tilespmem:$0x18330] =	vst v0  }
0x4b: {  	[tilespmem:$0x18340] =	vst v0  }
0x4c: {  	[tilespmem:$0x18350] =	vst v0  }
0x4d: {  	[tilespmem:$0x18360] =	vst v0  }
0x4e: {  	[tilespmem:$0x18370] =	vst v0  }
0x4f: {  	[tilespmem:$0x18380] =	vst v0  }
0x50: {  	[tilespmem:$0x18390] =	vst v0  }
0x51: {  	[tilespmem:$0x183A0] =	vst v0  }
0x52: {  	[tilespmem:$0x183B0] =	vst v0  }
0x53: {  	[tilespmem:$0x183C0] =	vst v0  }
0x54: {  	[tilespmem:$0x183D0] =	vst v0  }
0x55: {  	[tilespmem:$0x183E0] =	vst v0  }
0x56: {  	[tilespmem:$0x183F0] =	vst v0  }
0x57: {  	[tilespmem:$0x18400] =	vst v0  }
0x58: {  	[tilespmem:$0x18410] =	vst v0  }
0x59: {  	[tilespmem:$0x18420] =	vst v0  }
0x5a: {  	[tilespmem:$0x18430] =	vst v0  }
0x5b: {  	[tilespmem:$0x18440] =	vst v0  }
0x5c: {  	[tilespmem:$0x18450] =	vst v0  }
0x5d: {  	[tilespmem:$0x18460] =	vst v0  }
0x5e: {  	[tilespmem:$0x18470] =	vst v0  }
0x5f: {  	[tilespmem:$0x18480] =	vst v0  }
0x60: {  	[tilespmem:$0x18490] =	vst v0  }
0x61: {  	[tilespmem:$0x184A0] =	vst v0  }
0x62: {  	[tilespmem:$0x184B0] =	vst v0  }
0x63: {  	[tilespmem:$0x184C0] =	vst v0  }
0x64: {  	[tilespmem:$0x184D0] =	vst v0  }
0x65: {  	[tilespmem:$0x184E0] =	vst v0  }
0x66: {  	[tilespmem:$0x184F0] =	vst v0  }
0x67: {  	_ =	swait.ge [sflag:s28], $0x80  }
0x68: {  	[sflag:s28] =	ssyncset.done $0x0  }
0x69: {  	[sflag:s28] =	ssyncadd.s32 $0xFFFFFF80  }
0x6a: {  	_ =	swait.ge [sflag:s28], $0x80  }
0x6b: {  	[sflag:s28] =	ssyncset.done $0x0  }
0x6c: {  	[sflag:s28] =	ssyncadd.s32 $0xFFFFFF80  }
0x6d: {  	_ =	swait.ge [sflag:s28], $0x80  }
0x6e: {  	[sflag:s28] =	ssyncset.done $0x0  }
0x6f: {  	[sflag:s28] =	ssyncadd.s32 $0xFFFFFF80  }
0x70: {  	_ =	swait.ge [sflag:s28], $0x80  }
0x71: {  	[sflag:s28] =	ssyncset.done $0x0  }
0x72: {  	[sflag:s28] =	ssyncadd.s32 $0xFFFFFF80  }
0x73: {  	_ =	swait.ge [sflag:s29], $0xC000  }
0x74: {  	[sflag:s29] =	ssyncset.done $0x0  }
0x75: {  	[sflag:s29] =	ssyncadd.s32 $0xFFFF4000  }
0x76: {  	_ =	swait.ge [sflag:s29], $0xC000  }
0x77: {  	[sflag:s29] =	ssyncset.done $0x0  }
0x78: {  	[sflag:s29] =	ssyncadd.s32 $0xFFFF4000  }
0x79: {  	_ =	swait.ge [sflag:s29], $0xC000  }
0x7a: {  	[sflag:s29] =	ssyncset.done $0x0  }
0x7b: {  	[sflag:s29] =	ssyncadd.s32 $0xFFFF4000  }
0x7c: {  	_ =	swait.ge [sflag:s29], $0xC000  }
0x7d: {  	[sflag:s29] =	ssyncset.done $0x0  }
0x7e: {  	[sflag:s29] =	ssyncadd.s32 $0xFFFF4000  }
0x7f: {  	_ =	swait.ge [sflag:s29], $0xC000  }
0x80: {  	[sflag:s29] =	ssyncset.done $0x0  }
0x81: {  	[sflag:s29] =	ssyncadd.s32 $0xFFFF4000  }
0x82: {  	_ =	swait.ge [sflag:s29], $0xC000  }
0x83: {  	[sflag:s29] =	ssyncset.done $0x0  }
0x84: {  	[sflag:s29] =	ssyncadd.s32 $0xFFFF4000  }
0x85: {  	_ =	swait.ge [sflag:s29], $0xC000  }
.Ltmp2:
0x86: {  	[sflag:s29] =	ssyncset.done $0x0;
	(pc) =	sbr.rel .LBB2_2-.Ltmp2, $4  }
0x87: {  	[sflag:s29] =	ssyncadd.s32 $0xFFFF4000  }
0x88: {  	_ =	swait.ge [sflag:s29], $0xC000  }
0x89: {  	[sflag:s29] =	ssyncset.done $0x0  }
0x8a: {  	s0 =	simm.s32 $0x0;
	s4 =	smov.u32 s1;
	[sflag:s29] =	ssyncadd.s32 $0xFFFF4000  }
.LBB2_6:
0x8b: {  	s0 =	sadd.s32 $0x1, s0  }
0x8c: {  	p0 =	sne.s32 s0, $0x8  }
.Ltmp3:
0x8d: {  	_ = 	snop;
	(pc) =	sbr.rel @!p0 .LBB2_7-.Ltmp3, $2  }
0x8e: {  	_ =	sdelay $0x2  }
0x8f: {  	s4 =	sadd.s32 $0x10, s4  }
.LBB2_2:
0x90: {  	s6 =	sshll.u32 s0, $0x4  }
0x91: {  	v2 =	vld [tilespmem:s6+$0x18000];
	_ =	sdelay $0x4  }
0x92: {  	vm0 =	veq.s32 v2, $0x0  }
0x93: {  	v2 =	vmpcnt.ones.xlane vm0;
	_ =	sdelay $0x1  }
0x94: {  	(v2sf) =	vpush v2, $0x0;
	_ =	sdelay $0xe  }
0x95: {  	s23 =	spop (v2sf)  }
0x96: {  	p0 =	slt.s32 s23, $0x1  }
.Ltmp4:
0x97: {  	_ = 	snop;
	(pc) =	sbr.rel @p0 .LBB2_6-.Ltmp4, $2  }
0x98: {  	_ =	sdelay $0x2  }
0x99: {  	s31 =	simm.s32 $0x0  }
0x9a: {  	v2 =	vmov s31  }
0x9b: {  	vm1 =	veq.s32 v2, v1  }
0x9c: {  	vm1 =	vmand vm0, vm1  }
0x9d: {  	v2 =	vmpcnt.ones.xlane vm1  }
0x9e: {  	s6 =	simm.s32 $0x1  }
0x9f: {  	(v2sf) =	vpush v2, $0x0;
	v2 =	vmov s6  }
0xa0: {  	vm1 =	veq.s32 v2, v1  }
0xa1: {  	s21 =	simm.s32 $0x2;
	vm1 =	vmand vm0, vm1  }
0xa2: {  	v3 =	vmov s21;
	v2 =	vmpcnt.ones.xlane vm1  }
0xa3: {  	vm1 =	veq.s32 v3, v1  }
0xa4: {  	vm1 =	vmand vm0, vm1;
	(v2sf) =	vpush v2, $0x0  }
0xa5: {  	v2 =	vmpcnt.ones.xlane vm1;
	_ =	sdelay $0x1  }
0xa6: {  	(v2sf) =	vpush v2, $0x0;
	_ =	sdelay $0x3  }
0xa7: {  	s21 =	simm.s32 $0x3  }
0xa8: {  	v2 =	vmov s21  }
0xa9: {  	s20 =	simm.s32 $0x4;
	vm1 =	veq.s32 v2, v1  }
0xaa: {  	v2 =	vmov s20;
	vm1 =	vmand vm0, vm1;
	s22 =	spop (v2sf)  }
0xab: {  	vm2 =	veq.s32 v2, v1;
	v2 =	vmpcnt.ones.xlane vm1;
	p0 =	slt.s32 s22, $0x1  }
0xac: {  	s6 =	sadd.s32 @!p0 $0x0, s4;
	p0 =	por p0, p0  }
0xad: {  	vm1 =	vmand vm0, vm2;
	(v2sf) =	vpush v2, $0x0;
	s6 =	sshrl.u32 @!p0 s6, $0x3  }
0xae: {  	v3 =	vmpcnt.ones.xlane vm1;
	s6 =	smul.u32 @!p0 $0x1800, s6;
	p0 =	por p0, p0  }
0xaf: {  	s22 =	simm.s32 $0x80;
	s7 =	spop (v2sf);
	s8 =	sand.u32 @!p0 $0x380, s31  }
0xb0: {  	s9 =	simm.s32 @!p0 $0x18200;
	s10 =	simm.s32 @!p0 $0x80;
	(v2sf) =	vpush v3, $0x0;
	p1 =	slt.s32 s7, $0x1  }
0xb1: {  	s12 =	simm.s32 @!p0 $0x400;
	s6 =	sor.u32 @!p0 s8, s6;
	s7 =	sadd.s32 @!p1 $0x1, s4  }
0xb2: {  	s6 =	sshrl.u32 @!p0 s6, $0x3;
	p1 =	por p1, p1;
	s23 =	spop (v2sf)  }
0xb3: {  	s6 =	sadd.s32 @!p0 s2, s6;
	s7 =	sshrl.u32 @!p1 s7, $0x3;
	p2 =	slt.s32 s23, $0x1  }
0xb4: {  	[hbm4b:s6+s10] =	stream.strided.scatter @!p0 [tilespmem:s9], [sflag:$0x5], $0x300, s12, s10, $0x38;
	[tilespmem:$0x18500] =	vst v63  }
0xb5: {  	s23 =	simm.s32 @!p0 $0x5;
	s6 =	simm.s32 $0x5;
	s8 =	sadd.s32 @!p2 $0x2, s4  }
.LBB2_4:
0xb6: {  	s9 =	smul.u32 @!p1 $0x1800, s7;
	_ =	swait.ge @!p0 [sflag:s23], $0x300  }
0xb7: {  	v2 =	vmov s6;
	s10 =	smov.u32 s20;
	s20 =	smov.u32 s6;
	s6 =	sadd.s32 $0x1, s6  }
0xb8: {  	p4 =	por p0, p0;
	p0 =	por p1, p1;
	p1 =	por p2, p2  }
0xb9: {  	vm1 =	veq.s32 v2, v1;
	s7 =	sshrl.u32 @!p1 s8, $0x3;
	s8 =	sand.u32 @!p0 $0x380, s22;
	[sflag:s23] =	ssyncset.done @!p4 $0x0  }
0xba: {  	p3 =	sne.s32 s6, $0x10;
	vm1 =	vmand vm0, vm1;
	s8 =	sor.u32 @!p0 s8, s9;
	[sflag:s23] =	ssyncadd.s32 @!p4 $0xFFFFFD00  }
.Ltmp5:
0xbb: {  	s23 =	simm.s32 @!p0 $0x5;
	v2 =	vmpcnt.ones.xlane vm1;
	s8 =	sshrl.u32 @!p0 s8, $0x3;
	(pc) =	sbr.rel @p3 .LBB2_4-.Ltmp5, $4  }
0xbc: {  	s13 =	simm.s32 @!p0 $0x18200;
	s9 =	spop (v2sf);
	s12 =	sadd.s32 @!p0 s2, s8  }
0xbd: {  	s14 =	simm.s32 @!p0 $0x400;
	(v2sf) =	vpush v2, $0x0;
	p2 =	slt.s32 s9, $0x1;
	s9 =	simm.s32 @!p0 $0x80  }
0xbe: {  	s22 =	sadd.s32 $0x80, s22;
	s8 =	sadd.s32 @!p2 s21, s4;
	s21 =	smov.u32 s10  }
0xbf: {  	[hbm4b:s12+s9] =	stream.strided.scatter @!p0 [tilespmem:s13], [sflag:$0x5], $0x300, s14, s9, $0x38;
	[tilespmem:$0x18500] =	vst v63  }
0xc0: {  	s6 =	smul.u32 @!p1 $0x1800, s7;
	_ =	swait.ge @!p0 [sflag:s23], $0x300;
	p1 =	por p1, p1  }
0xc1: {  	p3 =	por p0, p0;
	p0 =	por p2, p2;
	s7 =	sand.u32 @!p1 $0x380, s22  }
0xc2: {  	[sflag:s23] =	ssyncset.done @!p3 $0x0;
	s8 =	sshrl.u32 @!p0 s8, $0x3;
	s9 =	spop (v2sf)  }
0xc3: {  	s10 =	simm.s32 @!p1 $0x18200;
	s12 =	simm.s32 @!p1 $0x400;
	s6 =	sor.u32 @!p1 s7, s6  }
0xc4: {  	[sflag:s23] =	ssyncadd.s32 @!p3 $0xFFFFFD00;
	s7 =	simm.s32 @!p1 $0x5;
	p2 =	slt.s32 s9, $0x1  }
0xc5: {  	s9 =	simm.s32 @!p1 $0x80;
	s8 =	smul.u32 @!p0 $0x1800, s8;
	s6 =	sshrl.u32 @!p1 s6, $0x3  }
0xc6: {  	p0 =	por p0, p0;
	p3 =	por p1, p1;
	s6 =	sadd.s32 @!p1 s2, s6  }
0xc7: {  	[hbm4b:s6+s9] =	stream.strided.scatter @!p1 [tilespmem:s10], [sflag:$0x5], $0x300, s12, s9, $0x38;
	[tilespmem:$0x18500] =	vst v63  }
0xc8: {  	s13 =	sadd.s32 @!p2 s21, s4;
	s6 =	sadd.s32 $0x80, s22;
	s10 =	simm.s32 @!p0 $0x18200  }
0xc9: {  	s12 =	simm.s32 @!p0 $0x400;
	_ =	swait.ge @!p1 [sflag:s7], $0x300;
	s9 =	sand.u32 @!p0 $0x380, s6  }
0xca: {  	p1 =	por p2, p2;
	[sflag:s7] =	ssyncset.done @!p3 $0x0;
	s8 =	sor.u32 @!p0 s9, s8  }
0xcb: {  	s6 =	sadd.s32 $0x80, s6;
	[sflag:s7] =	ssyncadd.s32 @!p3 $0xFFFFFD00;
	s7 =	sshrl.u32 @!p0 s8, $0x3  }
0xcc: {  	s9 =	sshrl.u32 @!p1 s13, $0x3;
	s8 =	simm.s32 @!p0 $0x80;
	s7 =	sadd.s32 @!p0 s2, s7  }
0xcd: {  	[hbm4b:s7+s8] =	stream.strided.scatter @!p0 [tilespmem:s10], [sflag:$0x5], $0x300, s12, s8, $0x38;
	[tilespmem:$0x18500] =	vst v63  }
0xce: {  	s7 =	smul.u32 @!p1 $0x1800, s9;
	p1 =	por p1, p1;
	s8 =	simm.s32 @!p0 $0x5  }
0xcf: {  	s10 =	sand.u32 @!p1 $0x380, s6;
	s12 =	simm.s32 @!p1 $0x400;
	s6 =	sadd.s32 $0x80, s6  }
0xd0: {  	s23 =	spop (v2sf);
	s7 =	sor.u32 @!p1 s10, s7;
	s10 =	simm.s32 @!p1 $0x80  }
0xd1: {  	p2 =	slt.s32 s23, $0x1;
	_ =	swait.ge @!p0 [sflag:s8], $0x300;
	p0 =	por p0, p0  }
0xd2: {  	s7 =	sshrl.u32 @!p1 s7, $0x3;
	s9 =	sadd.s32 @!p2 s20, s4;
	p2 =	por p2, p2  }
0xd3: {  	[sflag:s8] =	ssyncset.done @!p0 $0x0;
	s7 =	sadd.s32 @!p1 s2, s7;
	s9 =	sshrl.u32 @!p2 s9, $0x3  }
0xd4: {  	[sflag:s8] =	ssyncadd.s32 @!p0 $0xFFFFFD00;
	s8 =	simm.s32 @!p1 $0x18200;
	p0 =	por p2, p2  }
0xd5: {  	[hbm4b:s7+s10] =	stream.strided.scatter @!p1 [tilespmem:s8], [sflag:$0x5], $0x300, s12, s10, $0x38;
	[tilespmem:$0x18500] =	vst v63  }
0xd6: {  	s7 =	smul.u32 @!p2 $0x1800, s9;
	s8 =	simm.s32 @!p1 $0x5;
	s6 =	sand.u32 @!p0 $0x380, s6  }
0xd7: {  	s9 =	simm.s32 @!p0 $0x80;
	_ =	swait.ge @!p1 [sflag:s8], $0x300;
	p1 =	por p1, p1  }
0xd8: {  	s10 =	simm.s32 @!p0 $0x400;
	s6 =	sor.u32 @!p0 s6, s7;
	[sflag:s8] =	ssyncset.done @!p1 $0x0  }
0xd9: {  	s7 =	simm.s32 @!p0 $0x5;
	s6 =	sshrl.u32 @!p0 s6, $0x3;
	[sflag:s8] =	ssyncadd.s32 @!p1 $0xFFFFFD00  }
.Ltmp6:
0xda: {  	s8 =	simm.s32 @!p0 $0x18200;
	s6 =	sadd.s32 @!p0 s2, s6;
	(pc) =	sbr.rel .LBB2_6-.Ltmp6, $4  }
0xdb: {  	[hbm4b:s6+s9] =	stream.strided.scatter @!p0 [tilespmem:s8], [sflag:$0x5], $0x300, s10, s9, $0x38;
	[tilespmem:$0x18500] =	vst v63  }
0xdc: {  	_ =	swait.ge @!p0 [sflag:s7], $0x300;
	p0 =	por p0, p0  }
0xdd: {  	[sflag:s7] =	ssyncset.done @!p0 $0x0  }
0xde: {  	[sflag:s7] =	ssyncadd.s32 @!p0 $0xFFFFFD00  }
.LBB2_7:
.Ltmp7:
0xdf: {  	(pc) =	sbr.rel .LBB2_8-.Ltmp7, $2  }
0xe0: {  	_ =	sdelay $0x2  }
0xe1: {  	s4 =	smov.u32 s1;
	s20 =	simm.s32 $0x0  }
.LBB2_12:
0xe2: {  	s20 =	sadd.s32 $0x1, s20  }
0xe3: {  	p0 =	sne.s32 s20, $0x8  }
.Ltmp8:
0xe4: {  	_ = 	snop;
	(pc) =	sbr.rel @!p0 .LBB2_13-.Ltmp8, $2  }
0xe5: {  	_ =	sdelay $0x2  }
0xe6: {  	s4 =	sadd.s32 $0x10, s4;
	s0 =	simm.s32 $0x0  }
.LBB2_8:
0xe7: {  	s0 =	sshll.u32 s20, $0x4  }
0xe8: {  	v2 =	vld [tilespmem:s0+$0x18080];
	_ =	sdelay $0x4  }
0xe9: {  	vm0 =	veq.s32 v2, $0x0  }
0xea: {  	v2 =	vmpcnt.ones.xlane vm0;
	_ =	sdelay $0x1  }
0xeb: {  	(v2sf) =	vpush v2, $0x0;
	_ =	sdelay $0xe  }
0xec: {  	s23 =	spop (v2sf)  }
0xed: {  	p0 =	slt.s32 s23, $0x1  }
.Ltmp9:
0xee: {  	_ = 	snop;
	(pc) =	sbr.rel @p0 .LBB2_12-.Ltmp9, $1  }
0xef: {  	_ =	sdelay $0x3  }
0xf0: {  	v2 =	vmov s31  }
0xf1: {  	vm1 =	veq.s32 v2, v1  }
0xf2: {  	vm1 =	vmand vm0, vm1  }
0xf3: {  	v2 =	vmpcnt.ones.xlane vm1;
	_ =	sdelay $0x1  }
0xf4: {  	(v2sf) =	vpush v2, $0x0;
	_ =	sdelay $0x4  }
0xf5: {  	s0 =	simm.s32 $0x1  }
0xf6: {  	v2 =	vmov s0  }
0xf7: {  	vm1 =	veq.s32 v2, v1  }
0xf8: {  	vm1 =	vmand vm0, vm1  }
0xf9: {  	v2 =	vmpcnt.ones.xlane vm1;
	_ =	sdelay $0x1  }
0xfa: {  	(v2sf) =	vpush v2, $0x0;
	_ =	sdelay $0x3  }
0xfb: {  	s23 =	spop (v2sf)  }
0xfc: {  	p0 =	slt.s32 s23, $0x1  }
0xfd: {  	s21 =	simm.s32 $0x2;
	s0 =	sadd.s32 @!p0 $0x0, s4  }
0xfe: {  	v2 =	vmov s21;
	s0 =	sshrl.u32 @!p0 s0, $0x3  }
0xff: {  	vm1 =	veq.s32 v2, v1;
	s6 =	smul.u32 @!p0 $0x1800, s0;
	s0 =	simm.s32 $0x3  }
0x100: {  	vm1 =	vmand vm0, vm1;
	v2 =	vmov s0  }
0x101: {  	vm2 =	veq.s32 v2, v1;
	v2 =	vmpcnt.ones.xlane vm1;
	_ =	sdelay $0x1  }
0x102: {  	vm1 =	vmand vm0, vm2;
	(v2sf) =	vpush v2, $0x0  }
0x103: {  	v3 =	vmpcnt.ones.xlane vm1  }
0x104: {  	s7 =	sand.u32 @!p0 $0x380, s31  }
0x105: {  	s8 =	spop (v2sf);
	s6 =	sor.u32 @!p0 s7, s6;
	(v2sf) =	vpush v3, $0x0  }
0x106: {  	s6 =	sadd.s32 @!p0 $0x300000, s6  }
0x107: {  	s22 =	simm.s32 $0x80;
	s23 =	simm.s32 $0x4;
	s6 =	sshrl.u32 @!p0 s6, $0x3  }
0x108: {  	p1 =	por p0, p0;
	s7 =	sadd.s32 @!p0 s2, s6;
	p0 =	slt.s32 s8, $0x1  }
0x109: {  	s10 =	simm.s32 @!p1 $0x400;
	s6 =	simm.s32 @!p1 $0x5;
	s9 =	sadd.s32 @!p0 $0x1, s4  }
0x10a: {  	s8 =	simm.s32 @!p1 $0x18200;
	s12 =	sshrl.u32 @!p0 s9, $0x3;
	s9 =	simm.s32 @!p1 $0x80  }
.LBB2_10:
0x10b: {  	s12 =	smul.u32 @!p0 $0x1800, s12;
	s13 =	sand.u32 @!p0 $0x380, s22;
	s14 =	smov.u32 s21  }
0x10c: {  	s21 =	smov.u32 s0;
	s0 =	smov.u32 s23;
	s23 =	sadd.s32 $0x1, s23  }
0x10d: {  	[hbm4b:s7+s9] =	stream.strided.scatter @!p1 [tilespmem:s8], [sflag:$0x5], $0x300, s10, s9, $0x38;
	[tilespmem:$0x18500] =	vst v63  }
0x10e: {  	p2 =	sne.s32 s23, $0x10;
	s7 =	sor.u32 @!p0 s13, s12;
	_ =	swait.ge @!p1 [sflag:s6], $0x300  }
0x10f: {  	v2 =	vmov s0;
	s7 =	sadd.s32 @!p0 $0x300000, s7;
	[sflag:s6] =	ssyncset.done @!p1 $0x0  }
.Ltmp10:
0x110: {  	vm1 =	veq.s32 v2, v1;
	s7 =	sshrl.u32 @!p0 s7, $0x3;
	[sflag:s6] =	ssyncadd.s32 @!p1 $0xFFFFFD00;
	(pc) =	sbr.rel @p2 .LBB2_10-.Ltmp10, $4  }
0x111: {  	vm1 =	vmand vm0, vm1;
	p1 =	por p0, p0;
	s6 =	spop (v2sf);
	s7 =	sadd.s32 @!p0 s2, s7  }
0x112: {  	v2 =	vmpcnt.ones.xlane vm1;
	p0 =	slt.s32 s6, $0x1;
	s6 =	simm.s32 @!p1 $0x5  }
0x113: {  	s22 =	sadd.s32 $0x80, s22;
	s8 =	simm.s32 @!p1 $0x18200;
	s9 =	sadd.s32 @!p0 s14, s4  }
0x114: {  	s10 =	simm.s32 @!p1 $0x400;
	(v2sf) =	vpush v2, $0x0;
	s12 =	sshrl.u32 @!p0 s9, $0x3;
	s9 =	simm.s32 @!p1 $0x80  }
0x115: {  	s12 =	smul.u32 @!p0 $0x1800, s12  }
0x116: {  	[hbm4b:s7+s9] =	stream.strided.scatter @!p1 [tilespmem:s8], [sflag:$0x5], $0x300, s10, s9, $0x38;
	[tilespmem:$0x18500] =	vst v63  }
0x117: {  	s13 =	sand.u32 @!p0 $0x380, s22;
	p2 =	por p0, p0  }
0x118: {  	s9 =	sadd.s32 $0x80, s22;
	_ =	swait.ge @!p1 [sflag:s6], $0x300;
	s7 =	sor.u32 @!p0 s13, s12  }
0x119: {  	[sflag:s6] =	ssyncset.done @!p1 $0x0;
	s14 =	spop (v2sf);
	s7 =	sadd.s32 @!p0 $0x300000, s7  }
0x11a: {  	[sflag:s6] =	ssyncadd.s32 @!p1 $0xFFFFFD00;
	p1 =	slt.s32 s14, $0x1;
	s7 =	sshrl.u32 @!p0 s7, $0x3  }
0x11b: {  	s8 =	simm.s32 @!p2 $0x18200;
	s6 =	sadd.s32 @!p0 s2, s7;
	s7 =	sadd.s32 @!p1 s21, s4  }
0x11c: {  	s10 =	simm.s32 @!p2 $0x80;
	s12 =	simm.s32 @!p2 $0x400;
	s7 =	sshrl.u32 @!p1 s7, $0x3  }
0x11d: {  	s13 =	sand.u32 @!p1 $0x380, s9;
	p0 =	por p1, p1;
	s7 =	smul.u32 @!p1 $0x1800, s7  }
0x11e: {  	[hbm4b:s6+s10] =	stream.strided.scatter @!p2 [tilespmem:s8], [sflag:$0x5], $0x300, s12, s10, $0x38;
	[tilespmem:$0x18500] =	vst v63  }
0x11f: {  	s6 =	simm.s32 @!p2 $0x5;
	s8 =	sadd.s32 $0x80, s9;
	s7 =	sor.u32 @!p1 s13, s7  }
0x120: {  	s9 =	simm.s32 @!p0 $0x80;
	_ =	swait.ge @!p2 [sflag:s6], $0x300;
	s7 =	sadd.s32 @!p1 $0x300000, s7  }
0x121: {  	s10 =	simm.s32 @!p0 $0x400;
	[sflag:s6] =	ssyncset.done @!p2 $0x0;
	s7 =	sshrl.u32 @!p1 s7, $0x3  }
0x122: {  	[sflag:s6] =	ssyncadd.s32 @!p2 $0xFFFFFD00;
	s6 =	sadd.s32 @!p1 s2, s7;
	s7 =	simm.s32 @!p0 $0x18200  }
0x123: {  	[hbm4b:s6+s9] =	stream.strided.scatter @!p0 [tilespmem:s7], [sflag:$0x5], $0x300, s10, s9, $0x38;
	[tilespmem:$0x18500] =	vst v63  }
0x124: {  	s23 =	spop (v2sf)  }
0x125: {  	p2 =	slt.s32 s23, $0x1  }
0x126: {  	s0 =	sadd.s32 @!p2 s0, s4  }
0x127: {  	s0 =	sshrl.u32 @!p2 s0, $0x3  }
0x128: {  	s6 =	simm.s32 @!p0 $0x5;
	s0 =	smul.u32 @!p2 $0x1800, s0  }
0x129: {  	_ =	swait.ge @!p0 [sflag:s6], $0x300;
	s8 =	sand.u32 @!p2 $0x380, s8  }
0x12a: {  	[sflag:s6] =	ssyncset.done @!p0 $0x0;
	p1 =	por p2, p2;
	s0 =	sor.u32 @!p2 s8, s0  }
0x12b: {  	[sflag:s6] =	ssyncadd.s32 @!p0 $0xFFFFFD00;
	s6 =	simm.s32 @!p1 $0x5;
	s0 =	sadd.s32 @!p2 $0x300000, s0  }
0x12c: {  	s7 =	simm.s32 @!p1 $0x18200;
	s9 =	simm.s32 @!p1 $0x400;
	s0 =	sshrl.u32 @!p2 s0, $0x3  }
.Ltmp11:
0x12d: {  	s8 =	simm.s32 @!p1 $0x80;
	s0 =	sadd.s32 @!p2 s2, s0;
	(pc) =	sbr.rel .LBB2_12-.Ltmp11, $4  }
0x12e: {  	[hbm4b:s0+s8] =	stream.strided.scatter @!p1 [tilespmem:s7], [sflag:$0x5], $0x300, s9, s8, $0x38;
	[tilespmem:$0x18500] =	vst v63  }
0x12f: {  	_ =	swait.ge @!p1 [sflag:s6], $0x300  }
0x130: {  	[sflag:s6] =	ssyncset.done @!p1 $0x0  }
0x131: {  	[sflag:s6] =	ssyncadd.s32 @!p1 $0xFFFFFD00  }
.LBB2_13:
.Ltmp12:
0x132: {  	(pc) =	sbr.rel .LBB2_14-.Ltmp12, $2  }
0x133: {  	_ =	sdelay $0x2  }
0x134: {  	s31 =	smov.u32 s1;
	s20 =	simm.s32 $0x0  }
.LBB2_18:
0x135: {  	s20 =	sadd.s32 $0x1, s20  }
0x136: {  	p0 =	sne.s32 s20, $0x8  }
.Ltmp13:
0x137: {  	_ = 	snop;
	(pc) =	sbr.rel @!p0 .LBB2_19-.Ltmp13, $2  }
0x138: {  	_ =	sdelay $0x2  }
0x139: {  	s31 =	sadd.s32 $0x10, s31;
	s4 =	simm.s32 $0x0  }
.LBB2_14:
0x13a: {  	s4 =	sshll.u32 s20, $0x4  }
0x13b: {  	v2 =	vld [tilespmem:s4+$0x18100];
	_ =	sdelay $0x4  }
0x13c: {  	vm0 =	veq.s32 v2, $0x0  }
0x13d: {  	v2 =	vmpcnt.ones.xlane vm0;
	_ =	sdelay $0x1  }
0x13e: {  	(v2sf) =	vpush v2, $0x0;
	_ =	sdelay $0xe  }
0x13f: {  	s23 =	spop (v2sf)  }
0x140: {  	p0 =	slt.s32 s23, $0x1  }
.Ltmp14:
0x141: {  	_ = 	snop;
	(pc) =	sbr.rel @p0 .LBB2_18-.Ltmp14, $1  }
0x142: {  	_ =	sdelay $0x3  }
0x143: {  	v2 =	vmov s0  }
0x144: {  	vm1 =	veq.s32 v2, v1  }
0x145: {  	vm1 =	vmand vm0, vm1  }
0x146: {  	v2 =	vmpcnt.ones.xlane vm1;
	_ =	sdelay $0x1  }
0x147: {  	(v2sf) =	vpush v2, $0x0;
	_ =	sdelay $0x4  }
0x148: {  	s4 =	simm.s32 $0x1  }
0x149: {  	v2 =	vmov s4  }
0x14a: {  	vm1 =	veq.s32 v2, v1  }
0x14b: {  	vm1 =	vmand vm0, vm1  }
0x14c: {  	v2 =	vmpcnt.ones.xlane vm1;
	_ =	sdelay $0x1  }
0x14d: {  	(v2sf) =	vpush v2, $0x0;
	_ =	sdelay $0x3  }
0x14e: {  	s23 =	spop (v2sf)  }
0x14f: {  	p0 =	slt.s32 s23, $0x1  }
0x150: {  	s21 =	simm.s32 $0x2;
	s4 =	sadd.s32 @!p0 $0x0, s31  }
0x151: {  	v2 =	vmov s21;
	s4 =	sshrl.u32 @!p0 s4, $0x3  }
0x152: {  	vm1 =	veq.s32 v2, v1;
	s6 =	smul.u32 @!p0 $0x1800, s4;
	s4 =	simm.s32 $0x3  }
0x153: {  	vm1 =	vmand vm0, vm1;
	v2 =	vmov s4  }
0x154: {  	vm2 =	veq.s32 v2, v1;
	v2 =	vmpcnt.ones.xlane vm1;
	_ =	sdelay $0x1  }
0x155: {  	vm1 =	vmand vm0, vm2;
	(v2sf) =	vpush v2, $0x0  }
0x156: {  	v3 =	vmpcnt.ones.xlane vm1  }
0x157: {  	s7 =	sand.u32 @!p0 $0x380, s0  }
0x158: {  	s8 =	spop (v2sf);
	s6 =	sor.u32 @!p0 s7, s6;
	(v2sf) =	vpush v3, $0x0  }
0x159: {  	s6 =	sadd.s32 @!p0 $0x600000, s6  }
0x15a: {  	s22 =	simm.s32 $0x80;
	s23 =	simm.s32 $0x4;
	s6 =	sshrl.u32 @!p0 s6, $0x3  }
0x15b: {  	p1 =	por p0, p0;
	s7 =	sadd.s32 @!p0 s2, s6;
	p0 =	slt.s32 s8, $0x1  }
0x15c: {  	s10 =	simm.s32 @!p1 $0x400;
	s6 =	simm.s32 @!p1 $0x5;
	s9 =	sadd.s32 @!p0 $0x1, s31  }
0x15d: {  	s8 =	simm.s32 @!p1 $0x18200;
	s12 =	sshrl.u32 @!p0 s9, $0x3;
	s9 =	simm.s32 @!p1 $0x80  }
.LBB2_16:
0x15e: {  	s12 =	smul.u32 @!p0 $0x1800, s12;
	s13 =	sand.u32 @!p0 $0x380, s22;
	s14 =	smov.u32 s21  }
0x15f: {  	s21 =	smov.u32 s4;
	s4 =	smov.u32 s23;
	s23 =	sadd.s32 $0x1, s23  }
0x160: {  	[hbm4b:s7+s9] =	stream.strided.scatter @!p1 [tilespmem:s8], [sflag:$0x5], $0x300, s10, s9, $0x38;
	[tilespmem:$0x18500] =	vst v63  }
0x161: {  	p2 =	sne.s32 s23, $0x10;
	s7 =	sor.u32 @!p0 s13, s12;
	_ =	swait.ge @!p1 [sflag:s6], $0x300  }
0x162: {  	v2 =	vmov s4;
	s7 =	sadd.s32 @!p0 $0x600000, s7;
	[sflag:s6] =	ssyncset.done @!p1 $0x0  }
.Ltmp15:
0x163: {  	vm1 =	veq.s32 v2, v1;
	s7 =	sshrl.u32 @!p0 s7, $0x3;
	[sflag:s6] =	ssyncadd.s32 @!p1 $0xFFFFFD00;
	(pc) =	sbr.rel @p2 .LBB2_16-.Ltmp15, $4  }
0x164: {  	vm1 =	vmand vm0, vm1;
	p1 =	por p0, p0;
	s6 =	spop (v2sf);
	s7 =	sadd.s32 @!p0 s2, s7  }
0x165: {  	v2 =	vmpcnt.ones.xlane vm1;
	p0 =	slt.s32 s6, $0x1;
	s6 =	simm.s32 @!p1 $0x5  }
0x166: {  	s22 =	sadd.s32 $0x80, s22;
	s8 =	simm.s32 @!p1 $0x18200;
	s9 =	sadd.s32 @!p0 s14, s31  }
0x167: {  	s10 =	simm.s32 @!p1 $0x400;
	(v2sf) =	vpush v2, $0x0;
	s12 =	sshrl.u32 @!p0 s9, $0x3;
	s9 =	simm.s32 @!p1 $0x80  }
0x168: {  	s12 =	smul.u32 @!p0 $0x1800, s12  }
0x169: {  	[hbm4b:s7+s9] =	stream.strided.scatter @!p1 [tilespmem:s8], [sflag:$0x5], $0x300, s10, s9, $0x38;
	[tilespmem:$0x18500] =	vst v63  }
0x16a: {  	s13 =	sand.u32 @!p0 $0x380, s22;
	p2 =	por p0, p0  }
0x16b: {  	s9 =	sadd.s32 $0x80, s22;
	_ =	swait.ge @!p1 [sflag:s6], $0x300;
	s7 =	sor.u32 @!p0 s13, s12  }
0x16c: {  	[sflag:s6] =	ssyncset.done @!p1 $0x0;
	s14 =	spop (v2sf);
	s7 =	sadd.s32 @!p0 $0x600000, s7  }
0x16d: {  	[sflag:s6] =	ssyncadd.s32 @!p1 $0xFFFFFD00;
	p1 =	slt.s32 s14, $0x1;
	s7 =	sshrl.u32 @!p0 s7, $0x3  }
0x16e: {  	s8 =	simm.s32 @!p2 $0x18200;
	s6 =	sadd.s32 @!p0 s2, s7;
	s7 =	sadd.s32 @!p1 s21, s31  }
0x16f: {  	s10 =	simm.s32 @!p2 $0x80;
	s12 =	simm.s32 @!p2 $0x400;
	s7 =	sshrl.u32 @!p1 s7, $0x3  }
0x170: {  	s13 =	sand.u32 @!p1 $0x380, s9;
	p0 =	por p1, p1;
	s7 =	smul.u32 @!p1 $0x1800, s7  }
0x171: {  	[hbm4b:s6+s10] =	stream.strided.scatter @!p2 [tilespmem:s8], [sflag:$0x5], $0x300, s12, s10, $0x38;
	[tilespmem:$0x18500] =	vst v63  }
0x172: {  	s6 =	simm.s32 @!p2 $0x5;
	s8 =	sadd.s32 $0x80, s9;
	s7 =	sor.u32 @!p1 s13, s7  }
0x173: {  	s9 =	simm.s32 @!p0 $0x80;
	_ =	swait.ge @!p2 [sflag:s6], $0x300;
	s7 =	sadd.s32 @!p1 $0x600000, s7  }
0x174: {  	s10 =	simm.s32 @!p0 $0x400;
	[sflag:s6] =	ssyncset.done @!p2 $0x0;
	s7 =	sshrl.u32 @!p1 s7, $0x3  }
0x175: {  	[sflag:s6] =	ssyncadd.s32 @!p2 $0xFFFFFD00;
	s6 =	sadd.s32 @!p1 s2, s7;
	s7 =	simm.s32 @!p0 $0x18200  }
0x176: {  	[hbm4b:s6+s9] =	stream.strided.scatter @!p0 [tilespmem:s7], [sflag:$0x5], $0x300, s10, s9, $0x38;
	[tilespmem:$0x18500] =	vst v63  }
0x177: {  	s23 =	spop (v2sf)  }
0x178: {  	p2 =	slt.s32 s23, $0x1  }
0x179: {  	s4 =	sadd.s32 @!p2 s4, s31  }
0x17a: {  	s4 =	sshrl.u32 @!p2 s4, $0x3  }
0x17b: {  	s6 =	simm.s32 @!p0 $0x5;
	s4 =	smul.u32 @!p2 $0x1800, s4  }
0x17c: {  	_ =	swait.ge @!p0 [sflag:s6], $0x300;
	s8 =	sand.u32 @!p2 $0x380, s8  }
0x17d: {  	[sflag:s6] =	ssyncset.done @!p0 $0x0;
	p1 =	por p2, p2;
	s4 =	sor.u32 @!p2 s8, s4  }
0x17e: {  	[sflag:s6] =	ssyncadd.s32 @!p0 $0xFFFFFD00;
	s6 =	simm.s32 @!p1 $0x5;
	s4 =	sadd.s32 @!p2 $0x600000, s4  }
0x17f: {  	s7 =	simm.s32 @!p1 $0x18200;
	s9 =	simm.s32 @!p1 $0x400;
	s4 =	sshrl.u32 @!p2 s4, $0x3  }
.Ltmp16:
0x180: {  	s8 =	simm.s32 @!p1 $0x80;
	s4 =	sadd.s32 @!p2 s2, s4;
	(pc) =	sbr.rel .LBB2_18-.Ltmp16, $4  }
0x181: {  	[hbm4b:s4+s8] =	stream.strided.scatter @!p1 [tilespmem:s7], [sflag:$0x5], $0x300, s9, s8, $0x38;
	[tilespmem:$0x18500] =	vst v63  }
0x182: {  	_ =	swait.ge @!p1 [sflag:s6], $0x300  }
0x183: {  	[sflag:s6] =	ssyncset.done @!p1 $0x0  }
0x184: {  	[sflag:s6] =	ssyncadd.s32 @!p1 $0xFFFFFD00  }
.LBB2_19:
.Ltmp17:
0x185: {  	(pc) =	sbr.rel .LBB2_20-.Ltmp17, $2  }
0x186: {  	_ =	sdelay $0x2  }
0x187: {  	s0 =	smov.u32 s1;
	s20 =	simm.s32 $0x0  }
.LBB2_24:
0x188: {  	s20 =	sadd.s32 $0x1, s20  }
0x189: {  	p0 =	sne.s32 s20, $0x8  }
.Ltmp18:
0x18a: {  	_ = 	snop;
	(pc) =	sbr.rel @!p0 .LBB2_25-.Ltmp18, $2  }
0x18b: {  	_ =	sdelay $0x2  }
0x18c: {  	s0 =	sadd.s32 $0x10, s0  }
.LBB2_20:
0x18d: {  	s6 =	sshll.u32 s20, $0x4  }
0x18e: {  	v2 =	vld [tilespmem:s6+$0x18180];
	_ =	sdelay $0x4  }
0x18f: {  	vm0 =	veq.s32 v2, $0x0  }
0x190: {  	v2 =	vmpcnt.ones.xlane vm0;
	_ =	sdelay $0x1  }
0x191: {  	(v2sf) =	vpush v2, $0x0;
	_ =	sdelay $0xe  }
0x192: {  	s31 =	spop (v2sf)  }
0x193: {  	p0 =	slt.s32 s31, $0x1  }
.Ltmp19:
0x194: {  	_ = 	snop;
	(pc) =	sbr.rel @p0 .LBB2_24-.Ltmp19, $1  }
0x195: {  	_ =	sdelay $0x3  }
0x196: {  	v2 =	vmov s4  }
0x197: {  	vm1 =	veq.s32 v2, v1  }
0x198: {  	vm1 =	vmand vm0, vm1  }
0x199: {  	v2 =	vmpcnt.ones.xlane vm1;
	_ =	sdelay $0x1  }
0x19a: {  	s6 =	simm.s32 $0x1;
	(v2sf) =	vpush v2, $0x0  }
0x19b: {  	v2 =	vmov s6  }
0x19c: {  	vm1 =	veq.s32 v2, v1  }
0x19d: {  	vm1 =	vmand vm0, vm1  }
0x19e: {  	v2 =	vmpcnt.ones.xlane vm1;
	_ =	sdelay $0x1  }
0x19f: {  	(v2sf) =	vpush v2, $0x0;
	_ =	sdelay $0x5  }
0x1a0: {  	s21 =	simm.s32 $0x2  }
0x1a1: {  	v2 =	vmov s21  }
0x1a2: {  	s31 =	simm.s32 $0x3;
	vm1 =	veq.s32 v2, v1  }
0x1a3: {  	v2 =	vmov s31;
	vm1 =	vmand vm0, vm1;
	s23 =	spop (v2sf)  }
0x1a4: {  	vm2 =	veq.s32 v2, v1;
	v2 =	vmpcnt.ones.xlane vm1;
	p0 =	slt.s32 s23, $0x1  }
0x1a5: {  	s6 =	sadd.s32 @!p0 $0x0, s0  }
0x1a6: {  	vm1 =	vmand vm0, vm2;
	(v2sf) =	vpush v2, $0x0;
	s6 =	sshrl.u32 @!p0 s6, $0x3  }
0x1a7: {  	v3 =	vmpcnt.ones.xlane vm1;
	s6 =	smul.u32 @!p0 $0x1800, s6  }
0x1a8: {  	s7 =	sand.u32 @!p0 $0x380, s4  }
0x1a9: {  	s8 =	spop (v2sf);
	(v2sf) =	vpush v3, $0x0;
	s6 =	sor.u32 @!p0 s7, s6  }
0x1aa: {  	s6 =	sadd.s32 @!p0 $0x900000, s6  }
0x1ab: {  	s22 =	simm.s32 $0x80;
	s23 =	simm.s32 $0x4;
	s6 =	sshrl.u32 @!p0 s6, $0x3  }
0x1ac: {  	p1 =	por p0, p0;
	s7 =	sadd.s32 @!p0 s2, s6;
	p0 =	slt.s32 s8, $0x1  }
0x1ad: {  	s10 =	simm.s32 @!p1 $0x400;
	s6 =	simm.s32 @!p1 $0x5;
	s9 =	sadd.s32 @!p0 $0x1, s0  }
0x1ae: {  	s8 =	simm.s32 @!p1 $0x18200;
	s12 =	sshrl.u32 @!p0 s9, $0x3;
	s9 =	simm.s32 @!p1 $0x80  }
.LBB2_22:
0x1af: {  	s12 =	smul.u32 @!p0 $0x1800, s12;
	s13 =	sand.u32 @!p0 $0x380, s22;
	s14 =	smov.u32 s21  }
0x1b0: {  	s21 =	smov.u32 s31;
	s31 =	smov.u32 s23;
	s23 =	sadd.s32 $0x1, s23  }
0x1b1: {  	[hbm4b:s7+s9] =	stream.strided.scatter @!p1 [tilespmem:s8], [sflag:$0x5], $0x300, s10, s9, $0x38;
	[tilespmem:$0x18500] =	vst v63  }
0x1b2: {  	p2 =	sne.s32 s23, $0x10;
	s7 =	sor.u32 @!p0 s13, s12;
	_ =	swait.ge @!p1 [sflag:s6], $0x300  }
0x1b3: {  	v2 =	vmov s31;
	s7 =	sadd.s32 @!p0 $0x900000, s7;
	[sflag:s6] =	ssyncset.done @!p1 $0x0  }
.Ltmp20:
0x1b4: {  	vm1 =	veq.s32 v2, v1;
	s7 =	sshrl.u32 @!p0 s7, $0x3;
	[sflag:s6] =	ssyncadd.s32 @!p1 $0xFFFFFD00;
	(pc) =	sbr.rel @p2 .LBB2_22-.Ltmp20, $4  }
0x1b5: {  	vm1 =	vmand vm0, vm1;
	p1 =	por p0, p0;
	s6 =	spop (v2sf);
	s7 =	sadd.s32 @!p0 s2, s7  }
0x1b6: {  	v2 =	vmpcnt.ones.xlane vm1;
	p0 =	slt.s32 s6, $0x1;
	s6 =	simm.s32 @!p1 $0x5  }
0x1b7: {  	s22 =	sadd.s32 $0x80, s22;
	s8 =	simm.s32 @!p1 $0x18200;
	s9 =	sadd.s32 @!p0 s14, s0  }
0x1b8: {  	s10 =	simm.s32 @!p1 $0x400;
	(v2sf) =	vpush v2, $0x0;
	s12 =	sshrl.u32 @!p0 s9, $0x3;
	s9 =	simm.s32 @!p1 $0x80  }
0x1b9: {  	s12 =	smul.u32 @!p0 $0x1800, s12;
	s13 =	sand.u32 @!p0 $0x380, s22  }
0x1ba: {  	[hbm4b:s7+s9] =	stream.strided.scatter @!p1 [tilespmem:s8], [sflag:$0x5], $0x300, s10, s9, $0x38;
	[tilespmem:$0x18500] =	vst v63  }
0x1bb: {  	p2 =	por p0, p0;
	_ =	swait.ge @!p1 [sflag:s6], $0x300;
	s7 =	sor.u32 @!p0 s13, s12  }
0x1bc: {  	[sflag:s6] =	ssyncset.done @!p1 $0x0;
	s14 =	spop (v2sf);
	s7 =	sadd.s32 @!p0 $0x900000, s7  }
0x1bd: {  	[sflag:s6] =	ssyncadd.s32 @!p1 $0xFFFFFD00;
	p1 =	slt.s32 s14, $0x1;
	s7 =	sshrl.u32 @!p0 s7, $0x3  }
0x1be: {  	s9 =	sadd.s32 $0x80, s22;
	s6 =	sadd.s32 @!p0 s2, s7;
	s7 =	sadd.s32 @!p1 s21, s0  }
0x1bf: {  	s8 =	simm.s32 @!p2 $0x18200;
	s10 =	simm.s32 @!p2 $0x80;
	s7 =	sshrl.u32 @!p1 s7, $0x3  }
0x1c0: {  	s12 =	simm.s32 @!p2 $0x400;
	s13 =	sand.u32 @!p1 $0x380, s9;
	s7 =	smul.u32 @!p1 $0x1800, s7  }
0x1c1: {  	[hbm4b:s6+s10] =	stream.strided.scatter @!p2 [tilespmem:s8], [sflag:$0x5], $0x300, s12, s10, $0x38;
	[tilespmem:$0x18500] =	vst v63  }
0x1c2: {  	p0 =	por p1, p1;
	s6 =	simm.s32 @!p2 $0x5;
	s7 =	sor.u32 @!p1 s13, s7  }
0x1c3: {  	s8 =	simm.s32 @!p0 $0x18200;
	_ =	swait.ge @!p2 [sflag:s6], $0x300;
	s7 =	sadd.s32 @!p1 $0x900000, s7  }
0x1c4: {  	s10 =	simm.s32 @!p0 $0x80;
	[sflag:s6] =	ssyncset.done @!p2 $0x0;
	s7 =	sshrl.u32 @!p1 s7, $0x3  }
0x1c5: {  	s12 =	simm.s32 @!p0 $0x400;
	[sflag:s6] =	ssyncadd.s32 @!p2 $0xFFFFFD00;
	s6 =	sadd.s32 @!p1 s2, s7  }
0x1c6: {  	[hbm4b:s6+s10] =	stream.strided.scatter @!p0 [tilespmem:s8], [sflag:$0x5], $0x300, s12, s10, $0x38;
	[tilespmem:$0x18500] =	vst v63  }
0x1c7: {  	s23 =	spop (v2sf)  }
0x1c8: {  	p2 =	slt.s32 s23, $0x1  }
0x1c9: {  	s7 =	sadd.s32 @!p2 s31, s0  }
0x1ca: {  	s7 =	sshrl.u32 @!p2 s7, $0x3  }
0x1cb: {  	s9 =	sadd.s32 $0x80, s9;
	s6 =	simm.s32 @!p0 $0x5;
	s7 =	smul.u32 @!p2 $0x1800, s7  }
0x1cc: {  	_ =	swait.ge @!p0 [sflag:s6], $0x300;
	s9 =	sand.u32 @!p2 $0x380, s9  }
0x1cd: {  	[sflag:s6] =	ssyncset.done @!p0 $0x0;
	p1 =	por p2, p2;
	s7 =	sor.u32 @!p2 s9, s7  }
0x1ce: {  	[sflag:s6] =	ssyncadd.s32 @!p0 $0xFFFFFD00;
	s8 =	simm.s32 @!p1 $0x18200;
	s7 =	sadd.s32 @!p2 $0x900000, s7  }
0x1cf: {  	s10 =	simm.s32 @!p1 $0x400;
	s9 =	simm.s32 @!p1 $0x80;
	s7 =	sshrl.u32 @!p2 s7, $0x3  }
.Ltmp21:
0x1d0: {  	s6 =	sadd.s32 @!p2 s2, s7;
	s7 =	simm.s32 @!p1 $0x5;
	(pc) =	sbr.rel .LBB2_24-.Ltmp21, $4  }
0x1d1: {  	[hbm4b:s6+s9] =	stream.strided.scatter @!p1 [tilespmem:s8], [sflag:$0x5], $0x300, s10, s9, $0x38;
	[tilespmem:$0x18500] =	vst v63  }
0x1d2: {  	_ =	swait.ge @!p1 [sflag:s7], $0x300  }
0x1d3: {  	[sflag:s7] =	ssyncset.done @!p1 $0x0  }
0x1d4: {  	[sflag:s7] =	ssyncadd.s32 @!p1 $0xFFFFFD00  }
.LBB2_26:
0x1d5: {  	_ =	sfence.sel $0x180000  }
0x1d6: {  	[bflag:$0x0] =	sbarrier.arrive $0xFFFF  }
0x1d7: {  	_ =	strace $0x90000047  }
0x1d8: {  	s0 =	stileid.u32;
	[bflag:$0x2] =	sbarrier.arrive $0xFFFF  }
0x1d9: {  	p0 =	sne.s32 s0, $0x0;
	s0 =	rddreg [dreg:$0x3]  }
0x1da: {  	s0 =	sadd.s32 @!p0 $0x100000, s0  }
0x1db: {  	[sflag:s0] =	ssyncadd.tile.s32 @!p0 $0x1;
	_ =	shalt  }
.Lfunc_end2:
_tile_overlayer_lowered:
.L_overlay_start_2:
0x1dc: {  	(tag) =	ssettag $0x2  }
0x1dd: {  	s0 =	rddreg [dreg:$0x0];
	s2 =	stileid.u32  }
0x1de: {  	s1 =	rddreg [dreg:$0x1];
	p0 =	sne.s32 s2, $0x0  }
0x1df: {  	s3 =	rddreg [dreg:$0x2];
	[bflag:$0x3] =	sbarrier.arrive $0xFFFF;
	s2 =	simm.s32 @!p0 $0x1C05  }
0x1e0: {  	[timem:s3], [sflag:s2] =	dma.local @!p0 [hbm:s0], s1  }
0x1e1: {  	s0 =	simm.s32 @!p0 $0x5  }
0x1e2: {  	_ =	swait.ge @!p0 [sflag:s0], s1  }
0x1e3: {  	s1 =	ssub.s32 @!p0 $0x0, s1;
	[sflag:s0] =	ssyncset.done @!p0 $0x0  }
0x1e4: {  	[sflag:s0] =	ssyncadd.s32 @!p0 s1  }
0x1e5: {  	[bflag:$0x3] =	sbarrier.arrive $0xFFFF  }
0x1e6: {  	_ =	shalt  }

</sc_bundles>
